<compile_context>
chip_gen: v7x
topology: tpu7x:2x2x1
jax: 0.10.2.dev20260603
libtpu: 0.0.44.dev20260713+nightly
codegen_flags: <defaults>
</compile_context>

<pallas_src>
import functools

import jax
import jax.numpy as jnp
from jax import lax
from jax.experimental import pallas as pl
from jax.experimental.pallas import tpu as pltpu
from jax.experimental.pallas import tpu_sc as plsc

NODE = 10000
DIM = 64
TOPK = 20
B = 4

NPAD = 10240
EPAD = NPAD * TOPK
TCOLS = 384
ECOL = 256
NW = 32
EPW = EPAD // NW
CH = 128
NCH = EPW // CH



def _prep_body(data_ref, emb_ref, w_ref, atti_ref, attj_ref, attemi_ref, attemj_ref,
               what_ref, sit_ref, table_ref):
    datab = data_ref[...]
    emb = emb_ref[...]
    W = w_ref[...]
    nb = emb.shape[0]
    nrm = jnp.sqrt((emb * emb).sum(-1, keepdims=True))
    what_ref[...] = emb / jnp.maximum(nrm, 1e-10)
    t_i = (emb * attemi_ref[...]).sum(-1)
    sit = []
    for bb in range(B):
        xlb = jnp.dot(datab[bb], W, preferred_element_type=jnp.float32)
        table_ref[:, bb * DIM:(bb + 1) * DIM] = xlb
        sit.append(((xlb * atti_ref[...]).sum(-1) + t_i)[:, None])
    sit_ref[...] = jnp.concatenate(sit, axis=1)
    table_ref[:, ECOL:ECOL + DIM] = emb
    table_ref[:, ECOL + DIM:] = jnp.zeros((nb, TCOLS - ECOL - DIM), jnp.float32)


def _prep_stage(data, emb, W, att_i, att_j, att_em_i, att_em_j):
    N, Fd = emb.shape[0], data.shape[-1]
    nb = 2000
    grid = (N // nb,)
    vspec = pl.BlockSpec((1, DIM), lambda i: (0, 0))
    what, sit, table = pl.pallas_call(
        _prep_body,
        grid=grid,
        in_specs=[
            pl.BlockSpec((B, nb, Fd), lambda i: (0, i, 0)),
            pl.BlockSpec((nb, DIM), lambda i: (i, 0)),
            pl.BlockSpec((Fd, DIM), lambda i: (0, 0)),
            vspec, vspec, vspec, vspec,
        ],
        out_specs=[
            pl.BlockSpec((nb, DIM), lambda i: (i, 0)),
            pl.BlockSpec((nb, B), lambda i: (i, 0)),
            pl.BlockSpec((nb, TCOLS), lambda i: (i, 0)),
        ],
        out_shape=[
            jax.ShapeDtypeStruct((N, DIM), jnp.float32),
            jax.ShapeDtypeStruct((N, B), jnp.float32),
            jax.ShapeDtypeStruct((N, TCOLS), jnp.float32),
        ],
    )(data, emb, W, att_i.reshape(1, DIM), att_j.reshape(1, DIM),
      att_em_i.reshape(1, DIM), att_em_j.reshape(1, DIM))
    return what, sit, table



RB = 128


def _topk_body(wr_ref, wallt_ref, val_ref, idx_ref):
    wr = wr_ref[...]
    wallt = wallt_ref[...]
    S = jnp.dot(wr, wallt, preferred_element_type=jnp.float32)
    n = S.shape[1]
    cols = jax.lax.broadcasted_iota(jnp.int32, S.shape, 1)
    vals, idxs = [], []
    for _ in range(TOPK):
        m = jnp.max(S, axis=1, keepdims=True)
        am = jnp.min(jnp.where(S == m, cols, n), axis=1, keepdims=True)
        vals.append(m)
        idxs.append(am)
        S = jnp.where(cols == am, -3.0, S)
    val_ref[...] = jnp.concatenate(vals, axis=1)
    idx_ref[...] = jnp.concatenate(idxs, axis=1)


def _topk_stage(w_hat):
    N = w_hat.shape[0]
    grid = (pl.cdiv(N, RB),)
    vals, idx = pl.pallas_call(
        _topk_body,
        grid=grid,
        in_specs=[
            pl.BlockSpec((RB, DIM), lambda i: (i, 0)),
            pl.BlockSpec((DIM, N), lambda i: (0, 0)),
        ],
        out_specs=[
            pl.BlockSpec((RB, TOPK), lambda i: (i, 0)),
            pl.BlockSpec((RB, TOPK), lambda i: (i, 0)),
        ],
        out_shape=[
            jax.ShapeDtypeStruct((N, TOPK), jnp.float32),
            jax.ShapeDtypeStruct((N, TOPK), jnp.int32),
        ],
    )(w_hat, w_hat.T)
    return vals, idx




def _sc_gather_body(table_hbm, idx_hbm, out_hbm, idx_v, buf, sem):
    wid = lax.axis_index("s") * 2 + lax.axis_index("c")
    base = wid * EPW
    pltpu.sync_copy(idx_hbm.at[pl.ds(base, EPW)], idx_v)

    def chunk(j, carry):
        pltpu.async_copy(table_hbm.at[idx_v.at[pl.ds(j * CH, CH)]], buf, sem).wait()
        pltpu.sync_copy(buf, out_hbm.at[pl.ds(base + j * CH, CH)])
        return carry

    lax.fori_loop(0, NCH, chunk, 0)


def _sc_gather(table_pad, idx_flat):
    mesh = plsc.VectorSubcoreMesh(core_axis_name="c", subcore_axis_name="s")
    k = functools.partial(
        pl.kernel,
        mesh=mesh,
        out_type=jax.ShapeDtypeStruct((EPAD, TCOLS), jnp.float32),
        scratch_types=[
            pltpu.VMEM((EPW,), jnp.int32),
            pltpu.VMEM((CH, TCOLS), jnp.float32),
            pltpu.SemaphoreType.DMA,
        ],
    )(_sc_gather_body)
    return k(table_pad, idx_flat)



ANB = 128


def _agg_body(g_ref, sit_ref, vals_ref, attj_ref, attemj_ref, b_ref, agg_ref):
    G = g_ref[...]
    E = G.shape[0]
    sit = sit_ref[...]
    valsE = vals_ref[...]
    attj = attj_ref[...]
    ej = G[:, ECOL:ECOL + DIM]
    tj = (ej * attemj_ref[...]).sum(-1, keepdims=True)
    sjj = []
    for bb in range(B):
        xj = G[:, bb * DIM:(bb + 1) * DIM]
        sjj.append((xj * attj).sum(-1, keepdims=True) + tj)
    alpha = jnp.concatenate(sjj, axis=1)
    sitE = jnp.broadcast_to(sit[:, None, :], (ANB, TOPK, B)).reshape(E, B)
    alpha = alpha + sitE
    alpha = jnp.where(alpha >= 0, alpha, 0.2 * alpha)
    alpha = jnp.where(valsE != 0.0, alpha, -jnp.inf)
    m = alpha.reshape(ANB, TOPK, B).max(axis=1)
    mE = jnp.broadcast_to(m[:, None, :], (ANB, TOPK, B)).reshape(E, B)
    ex = jnp.exp(alpha - mE)
    den = ex.reshape(ANB, TOPK, B).sum(axis=1)
    denE = jnp.broadcast_to(den[:, None, :], (ANB, TOPK, B)).reshape(E, B)
    a = ex / (denE + 1e-16)
    bvec = b_ref[...]
    for bb in range(B):
        xj = G[:, bb * DIM:(bb + 1) * DIM]
        w = a[:, bb:bb + 1]
        agg_ref[bb] = (w * xj).reshape(ANB, TOPK, DIM).sum(axis=1) + bvec


def _agg_stage(G, sit_pad, vals_pad, att_j, att_em_j, b):
    grid = (NPAD // ANB,)
    agg = pl.pallas_call(
        _agg_body,
        grid=grid,
        in_specs=[
            pl.BlockSpec((ANB * TOPK, TCOLS), lambda i: (i, 0)),
            pl.BlockSpec((ANB, B), lambda i: (i, 0)),
            pl.BlockSpec((ANB * TOPK, 1), lambda i: (i, 0)),
            pl.BlockSpec((1, DIM), lambda i: (0, 0)),
            pl.BlockSpec((1, DIM), lambda i: (0, 0)),
            pl.BlockSpec((1, DIM), lambda i: (0, 0)),
        ],
        out_specs=pl.BlockSpec((B, ANB, DIM), lambda i: (0, i, 0)),
        out_shape=jax.ShapeDtypeStruct((B, NPAD, DIM), jnp.float32),
    )(G, sit_pad, vals_pad, att_j.reshape(1, DIM), att_em_j.reshape(1, DIM),
      b.reshape(1, DIM))
    return agg




def _stats_body(agg_ref, emb_ref, sums_ref):
    agg = agg_ref[...]
    e = emb_ref[...]
    a1 = agg.sum(axis=0)
    a2 = (agg * agg).sum(axis=0)
    e2 = e * e
    rows = [
        a1.sum(axis=0), a2.sum(axis=0),
        (a1 * e).sum(axis=0), (a1 * e2).sum(axis=0), (a2 * e2).sum(axis=0),
        e.sum(axis=0), e2.sum(axis=0), jnp.zeros((DIM,), jnp.float32),
    ]
    blk = jnp.concatenate([r[None] for r in rows], axis=0)

    @pl.when(pl.program_id(0) == 0)
    def _():
        sums_ref[...] = jnp.zeros_like(sums_ref)

    sums_ref[...] += blk


def _stats_stage(agg, emb):
    N = emb.shape[0]
    nb = 2000
    grid = (N // nb,)
    sums = pl.pallas_call(
        _stats_body,
        grid=grid,
        in_specs=[
            pl.BlockSpec((B, nb, DIM), lambda i: (0, i, 0)),
            pl.BlockSpec((nb, DIM), lambda i: (i, 0)),
        ],
        out_specs=pl.BlockSpec((8, DIM), lambda i: (0, 0)),
        out_shape=jax.ShapeDtypeStruct((8, DIM), jnp.float32),
    )(agg, emb)
    return sums




def _final_body(agg_ref, emb_ref, a1_ref, b1_ref, a2_ref, b2_ref, wout_ref, bout_ref,
                out2_ref, pred_ref):
    agg = agg_ref[...]
    emb = emb_ref[...]
    y = agg * a1_ref[...][None] + b1_ref[...][None]
    out = y * emb[None]
    z = out * a2_ref[...][None] + b2_ref[...][None]
    out2 = jnp.maximum(z, 0.0)
    out2_ref[...] = out2
    w = wout_ref[...]
    pred_ref[...] = (out2 * w[None]).sum(-1) + bout_ref[0]


def _final_stage(agg, emb, a1, b1c, a2, b2c, Wout, bout):
    N = emb.shape[0]
    nb = 2048
    grid = (pl.cdiv(N, nb),)
    out2, pred = pl.pallas_call(
        _final_body,
        grid=grid,
        in_specs=[
            pl.BlockSpec((B, nb, DIM), lambda i: (0, i, 0)),
            pl.BlockSpec((nb, DIM), lambda i: (i, 0)),
            pl.BlockSpec((1, DIM), lambda i: (0, 0)),
            pl.BlockSpec((1, DIM), lambda i: (0, 0)),
            pl.BlockSpec((1, DIM), lambda i: (0, 0)),
            pl.BlockSpec((1, DIM), lambda i: (0, 0)),
            pl.BlockSpec((1, DIM), lambda i: (0, 0)),
            pl.BlockSpec((1,), lambda i: (0,), memory_space=pltpu.SMEM),
        ],
        out_specs=[
            pl.BlockSpec((B, nb, DIM), lambda i: (0, i, 0)),
            pl.BlockSpec((B, nb), lambda i: (0, i)),
        ],
        out_shape=[
            jax.ShapeDtypeStruct((B, N, DIM), jnp.float32),
            jax.ShapeDtypeStruct((B, N), jnp.float32),
        ],
    )(agg, emb, a1.reshape(1, DIM), b1c.reshape(1, DIM), a2.reshape(1, DIM),
      b2c.reshape(1, DIM), Wout.reshape(1, DIM), bout)
    return out2, pred




def kernel(data, org_edge_index, emb, W, b, att_i, att_j, att_em_i, att_em_j,
           bn1_g, bn1_b, bn2_g, bn2_b, Wout, bout):
    Bs, N, Fd = data.shape

    what, sit, table = _prep_stage(data, emb, W, att_i, att_j, att_em_i, att_em_j)
    vals, idx = _topk_stage(what)

    pad = NPAD - N
    table_pad = jnp.pad(table, ((0, pad), (0, 0)))
    idx_pad = jnp.pad(idx, ((0, pad), (0, 0)))
    vals_pad = jnp.pad(vals, ((0, pad), (0, 0)))
    vals_pad = vals_pad.at[N:, 0].set(1.0)
    sit_pad = jnp.pad(sit, ((0, pad), (0, 0)))

    G = _sc_gather(table_pad, idx_pad.reshape(-1))
    agg_pad = _agg_stage(G, sit_pad, vals_pad.reshape(EPAD, 1), att_j, att_em_j, b)
    agg = agg_pad[:, :N]

    sums = _stats_stage(agg, emb)
    cnt = float(B * N)
    s_a, s_a2, s_ae, s_ae2, s_a2e2, s_e, s_e2 = [sums[i] for i in range(7)]
    m1 = s_a / cnt
    v1 = s_a2 / cnt - m1 * m1
    a1 = bn1_g / jnp.sqrt(v1 + 1e-5)
    b1c = bn1_b - m1 * a1
    m2 = (a1 * s_ae + b1c * B * s_e) / cnt
    e_out2 = (a1 * a1 * s_a2e2 + 2 * a1 * b1c * s_ae2 + b1c * b1c * B * s_e2) / cnt
    v2 = e_out2 - m2 * m2
    a2 = bn2_g / jnp.sqrt(v2 + 1e-5)
    b2c = bn2_b - m2 * a2

    out2, pred = _final_stage(agg, emb, a1, b1c, a2, b2c, Wout, bout)
    return pred, out2

# --- scband reference (transcript-rebuilt; emitter-appended) ---
"""Pipeline reference for scband-gdn-12524124635910 (READ-ONLY COPY).

The authoritative reference and input builder live on the scoring server;
editing this copy changes nothing except your own understanding.
"""

import jax, jax.numpy as jnp
import numpy as np

NODE_NUM = 10000
DIM = 64
INPUT_DIM = 10
TOPK = 20
BATCH = 4


def setup_inputs(seed: int = 0) -> dict:
    key = jax.random.key(seed)
    ks = jax.random.split(key, 12)
    data = jax.random.normal(ks[0], (BATCH, NODE_NUM, INPUT_DIM), dtype=jnp.float32)
    org_edge_index = jax.random.randint(ks[1], (2, 160000), 0, NODE_NUM).astype(jnp.int64)
    emb = jax.random.normal(ks[2], (NODE_NUM, DIM), dtype=jnp.float32) * 0.05
    W = jax.random.normal(ks[3], (INPUT_DIM, DIM), dtype=jnp.float32) * 0.1
    b = jnp.zeros((DIM,), dtype=jnp.float32)
    att_i = jax.random.normal(ks[4], (DIM,), dtype=jnp.float32) * 0.1
    att_j = jax.random.normal(ks[5], (DIM,), dtype=jnp.float32) * 0.1
    att_em_i = jax.random.normal(ks[6], (DIM,), dtype=jnp.float32) * 0.1
    att_em_j = jax.random.normal(ks[7], (DIM,), dtype=jnp.float32) * 0.1
    bn1_g = jnp.ones((DIM,), dtype=jnp.float32)
    bn1_b = jnp.zeros((DIM,), dtype=jnp.float32)
    bn2_g = jnp.ones((DIM,), dtype=jnp.float32)
    bn2_b = jnp.zeros((DIM,), dtype=jnp.float32)
    Wout = jax.random.normal(ks[8], (DIM, 1), dtype=jnp.float32) * 0.1
    bout = jnp.zeros((1,), dtype=jnp.float32)
    return {"data": data, "org_edge_index": org_edge_index, "emb": emb, "W": W, "b": b,
            "att_i": att_i, "att_j": att_j, "att_em_i": att_em_i, "att_em_j": att_em_j,
            "bn1_g": bn1_g, "bn1_b": bn1_b, "bn2_g": bn2_g, "bn2_b": bn2_b,
            "Wout": Wout, "bout": bout}


def _gated_edges(emb):
    # topk graph structure learning (weights are detached in the original torch code)
    def _host(emb_np):
        w = np.asarray(emb_np)
        cos = w @ w.T
        nrm = np.linalg.norm(w, axis=-1)
        cos = cos / np.clip(nrm[:, None] * nrm[None, :], 1e-10, None)
        idx = np.argsort(-cos, axis=-1)[:, :TOPK]
        vals = np.take_along_axis(cos, idx, axis=-1)
        gated_i = np.repeat(np.arange(NODE_NUM), TOPK)
        gated_j = idx.reshape(-1)
        mask = vals.reshape(-1) != 0
        offs = (np.arange(BATCH) * NODE_NUM).astype(np.int64)
        src_b = (gated_j[None, :] + offs[:, None]).reshape(-1)
        dst_b = (gated_i[None, :] + offs[:, None]).reshape(-1)
        mask_b = np.tile(mask, BATCH)
        return (src_b.astype(np.int32), dst_b.astype(np.int32), mask_b)

    E = BATCH * NODE_NUM * TOPK
    out_shapes = (jax.ShapeDtypeStruct((E,), jnp.int32),
                  jax.ShapeDtypeStruct((E,), jnp.int32),
                  jax.ShapeDtypeStruct((E,), jnp.bool_))
    return jax.pure_callback(_host, out_shapes, emb)


def _bn_train(x, g, beta, axes):
    m = x.mean(axis=axes, keepdims=True)
    v = x.var(axis=axes, keepdims=True)
    return (x - m) / jnp.sqrt(v + 1e-5), g, beta


def reference(data, org_edge_index, emb, W, b, att_i, att_j, att_em_i, att_em_j,
              bn1_g, bn1_b, bn2_g, bn2_b, Wout, bout):
    B, N, Fd = data.shape
    src, dst, edge_mask = _gated_edges(jax.lax.stop_gradient(emb))
    x = data.reshape(-1, Fd)
    all_emb = jnp.tile(emb, (B, 1))
    # GraphLayer (GAT-style, heads=1)
    xl = x @ W
    x_i = xl[dst]
    x_j = xl[src]
    e_i = all_emb[dst]
    e_j = all_emb[src]
    cat_i = jnp.concatenate([att_i, att_em_i])
    cat_j = jnp.concatenate([att_j, att_em_j])
    alpha = (jnp.concatenate([x_i, e_i], axis=-1) * cat_i).sum(-1) + \
            (jnp.concatenate([x_j, e_j], axis=-1) * cat_j).sum(-1)
    alpha = jax.nn.leaky_relu(alpha, negative_slope=0.2)
    alpha = jnp.where(edge_mask, alpha, -jnp.inf)
    mseg = jax.ops.segment_max(alpha, dst, num_segments=B * N)
    a = jnp.exp(alpha - mseg[dst])
    den = jax.ops.segment_sum(a, dst, num_segments=B * N)
    a = a / (den[dst] + 1e-16)
    agg = jax.ops.segment_sum(a[:, None] * x_j, dst, num_segments=B * N) + b
    # BatchNorm1d over features (training-mode stats)
    xn, g, bt = _bn_train(agg, bn1_g, bn1_b, (0,))
    gcn = xn * g + bt
    gcn = gcn.reshape(B, N, DIM)
    out = gcn * emb[None, :, :]
    out_t = out.transpose(0, 2, 1)  # [B, C, N]
    m = out_t.mean(axis=(0, 2), keepdims=True)
    v = out_t.var(axis=(0, 2), keepdims=True)
    out_t = (out_t - m) / jnp.sqrt(v + 1e-5) * bn2_g[None, :, None] + bn2_b[None, :, None]
    out_t = jax.nn.relu(out_t)
    out2 = out_t.transpose(0, 2, 1)  # dropout is identity at eval
    pred = out2 @ Wout + bout  # [B, N, 1]
    pred = pred.reshape(-1, N)
    return pred, out2

if __name__ == "__main__":
    import jax
    _d = setup_inputs()
    print(jax.jit(kernel)(*tuple(_d.values())))

</pallas_src>

<mosaic_0001>
#map = affine_map<(d0, d1) -> (0, 0)>
#map1 = affine_map<(d0, d1) -> (0)>
module attributes {stable_mosaic.version = 14 : i64} {
  func.func @_sc_gather_body(%arg0: i32, %arg1: i32, %arg2: memref<10240x384xf32, #tpu.memory_space<hbm>>, %arg3: memref<204800xi32, #tpu.memory_space<hbm>>, %arg4: memref<204800x384xf32, #tpu.memory_space<hbm>>, %arg5: memref<6400xi32, #tpu.memory_space<vmem>>, %arg6: memref<128x384xf32, #tpu.memory_space<vmem>>, %arg7: memref<!tpu.dma_semaphore, #tpu.memory_space<semaphore_mem>>) attributes {dimension_semantics = [#tpu.dimension_semantics<core_parallel>, #tpu.dimension_semantics<subcore_parallel>], iteration_bounds = array<i64: 2, 16>, scalar_prefetch = 0 : i64, scratch_operands = 3 : i64, tpu.core_type = #tpu.core_type<sc_vector_subcore>, window_params = [{transform_indices = #map}, {transform_indices = #map1}, {transform_indices = #map}]} {
    %mul3A = arith.constant 2 : i32
    %mul3A_0 = arith.muli %arg1, %mul3A : i32
    %add3A = arith.addi %mul3A_0, %arg0 : i32
    %mul3A_1 = arith.constant 6400 : i32
    %mul3A_2 = arith.muli %add3A, %mul3A_1 : i32
    "tpu.region"() ({
      %run_scoped3A = tpu.sem_alloc : memref<!tpu.dma_semaphore, #tpu.memory_space<semaphore_mem>>
      %dma_start3A = tpu.memref_slice %arg3[%mul3A_2] : memref<204800xi32, #tpu.memory_space<hbm>> -> memref<6400xi32, #tpu.memory_space<hbm>>
      %dma_start3A_8 = tpu.memref_slice %arg3[%mul3A_2] : memref<204800xi32, #tpu.memory_space<hbm>> -> memref<6400xi32, #tpu.memory_space<hbm>>
      tpu.enqueue_dma source(%dma_start3A_8 : memref<6400xi32, #tpu.memory_space<hbm>>) target(%arg5 : memref<6400xi32, #tpu.memory_space<vmem>>) target_semaphore(%run_scoped3A : memref<!tpu.dma_semaphore, #tpu.memory_space<semaphore_mem>>)
      %dma_wait3A = tpu.memref_slice %arg3[%mul3A_2] : memref<204800xi32, #tpu.memory_space<hbm>> -> memref<6400xi32, #tpu.memory_space<hbm>>
      %dma_wait3A_9 = tpu.memref_slice %arg3[%mul3A_2] : memref<204800xi32, #tpu.memory_space<hbm>> -> memref<6400xi32, #tpu.memory_space<hbm>>
      tpu.wait_dma2 semaphore(%run_scoped3A : memref<!tpu.dma_semaphore, #tpu.memory_space<semaphore_mem>>) src(%dma_wait3A_9 : memref<6400xi32, #tpu.memory_space<hbm>>) dst(%arg5 : memref<6400xi32, #tpu.memory_space<vmem>>)
      tpu.yield
    }) : () -> ()
    %scan3A = arith.constant 0 : i32
    %scan3A_3 = arith.constant 0 : i32
    %scan3A_4 = arith.constant 50 : i32
    %scan3A_5 = arith.addi %scan3A_3, %scan3A_4 : i32
    %scan3A_6 = arith.constant 1 : i32
    scf.for %scan3A_8 = %scan3A_3 to %scan3A_5 step %scan3A_6  : i32 {
      %mul3A_9 = arith.constant 128 : i32
      %mul3A_10 = arith.muli %scan3A_8, %mul3A_9 : i32
      %dma_start3A = tpu.memref_slice %arg5[%mul3A_10] : memref<6400xi32, #tpu.memory_space<vmem>> -> memref<128xi32, #tpu.memory_space<vmem>>
      %dma_start3A_11 = arith.constant 0 : i32
      %dma_start3A_12 = arith.constant 0 : i32
      %dma_start3A_13 = tpu.memref_slice %arg2[%dma_start3A_11, %dma_start3A_12] : memref<10240x384xf32, #tpu.memory_space<hbm>> -> memref<10240x384xf32, #tpu.memory_space<hbm>>
      tpu.enqueue_indirect_dma source(%dma_start3A_13 : memref<10240x384xf32, #tpu.memory_space<hbm>>) target(%arg6 : memref<128x384xf32, #tpu.memory_space<vmem>>) offsets(%dma_start3A : memref<128xi32, #tpu.memory_space<vmem>>) semaphore(%arg7 : memref<!tpu.dma_semaphore, #tpu.memory_space<semaphore_mem>>)
      %dma_wait3A = tpu.memref_slice %arg5[%mul3A_10] : memref<6400xi32, #tpu.memory_space<vmem>> -> memref<128xi32, #tpu.memory_space<vmem>>
      %dma_wait3A_14 = arith.constant 0 : i32
      %dma_wait3A_15 = arith.constant 0 : i32
      %dma_wait3A_16 = tpu.memref_slice %arg2[%dma_wait3A_14, %dma_wait3A_15] : memref<10240x384xf32, #tpu.memory_space<hbm>> -> memref<10240x384xf32, #tpu.memory_space<hbm>>
      tpu.wait_indirect_dma semaphore(%arg7 : memref<!tpu.dma_semaphore, #tpu.memory_space<semaphore_mem>>) src(%dma_wait3A_16 : memref<10240x384xf32, #tpu.memory_space<hbm>>) dst(%arg6 : memref<128x384xf32, #tpu.memory_space<vmem>>)
      %mul3A_17 = arith.constant 128 : i32
      %mul3A_18 = arith.muli %scan3A_8, %mul3A_17 : i32
      %add3A_19 = arith.addi %mul3A_2, %mul3A_18 : i32
      "tpu.region"() ({
        %run_scoped3A = tpu.sem_alloc : memref<!tpu.dma_semaphore, #tpu.memory_space<semaphore_mem>>
        %dma_start3A_20 = arith.constant 0 : i32
        %dma_start3A_21 = tpu.memref_slice %arg4[%add3A_19, %dma_start3A_20] : memref<204800x384xf32, #tpu.memory_space<hbm>> -> memref<128x384xf32, #tpu.memory_space<hbm>>
        %dma_start3A_22 = arith.constant 0 : i32
        %dma_start3A_23 = tpu.memref_slice %arg4[%add3A_19, %dma_start3A_22] : memref<204800x384xf32, #tpu.memory_space<hbm>> -> memref<128x384xf32, #tpu.memory_space<hbm>>
        tpu.enqueue_dma source(%arg6 : memref<128x384xf32, #tpu.memory_space<vmem>>) target(%dma_start3A_23 : memref<128x384xf32, #tpu.memory_space<hbm>>) target_semaphore(%run_scoped3A : memref<!tpu.dma_semaphore, #tpu.memory_space<semaphore_mem>>)
        %dma_wait3A_24 = arith.constant 0 : i32
        %dma_wait3A_25 = tpu.memref_slice %arg4[%add3A_19, %dma_wait3A_24] : memref<204800x384xf32, #tpu.memory_space<hbm>> -> memref<128x384xf32, #tpu.memory_space<hbm>>
        %dma_wait3A_26 = arith.constant 0 : i32
        %dma_wait3A_27 = tpu.memref_slice %arg4[%add3A_19, %dma_wait3A_26] : memref<204800x384xf32, #tpu.memory_space<hbm>> -> memref<128x384xf32, #tpu.memory_space<hbm>>
        tpu.wait_dma2 semaphore(%run_scoped3A : memref<!tpu.dma_semaphore, #tpu.memory_space<semaphore_mem>>) src(%arg6 : memref<128x384xf32, #tpu.memory_space<vmem>>) dst(%dma_wait3A_27 : memref<128x384xf32, #tpu.memory_space<hbm>>)
        tpu.yield
      }) : () -> ()
    }
    %scan3A_7 = arith.constant 50 : i32
    return
  }
}

module attributes {stable_mosaic.version = 14 : i64} {
  func.func @_prep_body(%arg0: i32, %arg1: memref<4x2000x10xf32, #tpu.memory_space<vmem>>, %arg2: memref<2000x64xf32, #tpu.memory_space<vmem>>, %arg3: memref<10x64xf32, #tpu.memory_space<vmem>>, %arg4: memref<1x64xf32, #tpu.memory_space<vmem>>, %arg5: memref<1x64xf32, #tpu.memory_space<vmem>>, %arg6: memref<1x64xf32, #tpu.memory_space<vmem>>, %arg7: memref<1x64xf32, #tpu.memory_space<vmem>>, %arg8: memref<2000x64xf32, #tpu.memory_space<vmem>>, %arg9: memref<2000x4xf32, #tpu.memory_space<vmem>>, %arg10: memref<2000x384xf32, #tpu.memory_space<vmem>>) attributes {dimension_semantics = [#tpu.dimension_semantics<arbitrary>], iteration_bounds = array<i64: 5>, scalar_prefetch = 0 : i64, scratch_operands = 0 : i64, tpu.core_type = #tpu.core_type<tc>, window_params = [{transform_indices = @transform_0, window_bounds = array<i64: 4, 2000, 10>}, {transform_indices = @transform_1, window_bounds = array<i64: 2000, 64>}, {pipeline_mode = #tpu.pipeline_mode<synchronous>, transform_indices = @transform_2, window_bounds = array<i64: 10, 64>}, {pipeline_mode = #tpu.pipeline_mode<synchronous>, transform_indices = @transform_3, window_bounds = array<i64: 1, 64>}, {pipeline_mode = #tpu.pipeline_mode<synchronous>, transform_indices = @transform_4, window_bounds = array<i64: 1, 64>}, {pipeline_mode = #tpu.pipeline_mode<synchronous>, transform_indices = @transform_5, window_bounds = array<i64: 1, 64>}, {pipeline_mode = #tpu.pipeline_mode<synchronous>, transform_indices = @transform_6, window_bounds = array<i64: 1, 64>}, {transform_indices = @transform_7, window_bounds = array<i64: 2000, 64>}, {transform_indices = @transform_8, window_bounds = array<i64: 2000, 4>}, {transform_indices = @transform_9, window_bounds = array<i64: 2000, 384>}]} {
    %get3A = arith.constant 0 : index
    %get3A_0 = arith.constant 0 : index
    %get3A_1 = arith.constant 0 : index
    %get3A_2 = vector.load %arg1[%get3A, %get3A_0, %get3A_1] : memref<4x2000x10xf32, #tpu.memory_space<vmem>>, vector<4x2000x10xf32>
    %get3A_3 = arith.constant 0 : index
    %get3A_4 = arith.constant 0 : index
    %get3A_5 = vector.load %arg2[%get3A_3, %get3A_4] : memref<2000x64xf32, #tpu.memory_space<vmem>>, vector<2000x64xf32>
    %get3A_6 = arith.constant 0 : index
    %get3A_7 = arith.constant 0 : index
    %get3A_8 = vector.load %arg3[%get3A_6, %get3A_7] : memref<10x64xf32, #tpu.memory_space<vmem>>, vector<10x64xf32>
    %mul3A = arith.mulf %get3A_5, %get3A_5 : vector<2000x64xf32>
    %reduce_sum3A = arith.constant dense<0.000000e+00> : vector<2000xf32>
    %reduce_sum3A_9 = vector.multi_reduction <add>, %mul3A, %reduce_sum3A [1] : vector<2000x64xf32> to vector<2000xf32>
    %broadcast_in_dim3A = vector.shape_cast %reduce_sum3A_9 : vector<2000xf32> to vector<2000x1xf32>
    %sqrt3A = math.sqrt %broadcast_in_dim3A : vector<2000x1xf32>
    %max3A = arith.constant 1.000000e-10 : f32
    %max3A_10 = vector.broadcast %max3A : f32 to vector<2000x1xf32>
    %max3A_11 = arith.maximumf %sqrt3A, %max3A_10 : vector<2000x1xf32>
    %div3A = vector.broadcast %max3A_11 : vector<2000x1xf32> to vector<2000x64xf32>
    %div3A_12 = arith.divf %get3A_5, %div3A : vector<2000x64xf32>
    %swap3A = arith.constant 0 : index
    %swap3A_13 = arith.constant 0 : index
    %swap3A_14 = vector.load %arg8[%swap3A, %swap3A_13] : memref<2000x64xf32, #tpu.memory_space<vmem>>, vector<2000x64xf32>
    tpu.vector_store %arg8[%swap3A, %swap3A_13], %div3A_12 {strides = array<i32>} : memref<2000x64xf32, #tpu.memory_space<vmem>>, vector<2000x64xf32>,
    %get3A_15 = arith.constant 0 : index
    %get3A_16 = arith.constant 0 : index
    %get3A_17 = vector.load %arg6[%get3A_15, %get3A_16] : memref<1x64xf32, #tpu.memory_space<vmem>>, vector<1x64xf32>
    %mul3A_18 = vector.broadcast %get3A_17 : vector<1x64xf32> to vector<2000x64xf32>
    %mul3A_19 = arith.mulf %get3A_5, %mul3A_18 : vector<2000x64xf32>
    %reduce_sum3A_20 = arith.constant dense<0.000000e+00> : vector<2000xf32>
    %reduce_sum3A_21 = vector.multi_reduction <add>, %mul3A_19, %reduce_sum3A_20 [1] : vector<2000x64xf32> to vector<2000xf32>
    %slice3A = vector.extract_strided_slice %get3A_2 {offsets = [0, 0, 0], sizes = [1, 2000, 10], strides = [1, 1, 1]} : vector<4x2000x10xf32> to vector<1x2000x10xf32>
    %squeeze3A = vector.shape_cast %slice3A : vector<1x2000x10xf32> to vector<2000x10xf32>
    %dot_general3A = arith.constant dense<0.000000e+00> : vector<2000x64xf32>
    %dot_general3A_22 = tpu.matmul %squeeze3A, %get3A_8, %dot_general3A {dimension_numbers = #tpu.dot_dimension_numbers<[1], [0], [0], [1], [0, 0, 1, 1], [], []>, transpose_lhs_hint = false} : vector<2000x10xf32>, vector<10x64xf32>, vector<2000x64xf32> -> vector<2000x64xf32>
    %swap3A_23 = arith.constant 0 : index
    %swap3A_24 = arith.constant 0 : index
    %swap3A_25 = vector.load %arg10[%swap3A_23, %swap3A_24] : memref<2000x384xf32, #tpu.memory_space<vmem>>, vector<2000x64xf32>
    tpu.vector_store %arg10[%swap3A_23, %swap3A_24], %dot_general3A_22 {strides = array<i32>} : memref<2000x384xf32, #tpu.memory_space<vmem>>, vector<2000x64xf32>,
    %get3A_26 = arith.constant 0 : index
    %get3A_27 = arith.constant 0 : index
    %get3A_28 = vector.load %arg4[%get3A_26, %get3A_27] : memref<1x64xf32, #tpu.memory_space<vmem>>, vector<1x64xf32>
    %mul3A_29 = vector.broadcast %get3A_28 : vector<1x64xf32> to vector<2000x64xf32>
    %mul3A_30 = arith.mulf %dot_general3A_22, %mul3A_29 : vector<2000x64xf32>
    %reduce_sum3A_31 = arith.constant dense<0.000000e+00> : vector<2000xf32>
    %reduce_sum3A_32 = vector.multi_reduction <add>, %mul3A_30, %reduce_sum3A_31 [1] : vector<2000x64xf32> to vector<2000xf32>
    %add3A = arith.addf %reduce_sum3A_32, %reduce_sum3A_21 : vector<2000xf32>
    %broadcast_in_dim3A_33 = vector.shape_cast %add3A : vector<2000xf32> to vector<2000x1xf32>
    %slice3A_34 = vector.extract_strided_slice %get3A_2 {offsets = [1, 0, 0], sizes = [1, 2000, 10], strides = [1, 1, 1]} : vector<4x2000x10xf32> to vector<1x2000x10xf32>
    %squeeze3A_35 = vector.shape_cast %slice3A_34 : vector<1x2000x10xf32> to vector<2000x10xf32>
    %dot_general3A_36 = arith.constant dense<0.000000e+00> : vector<2000x64xf32>
    %dot_general3A_37 = tpu.matmul %squeeze3A_35, %get3A_8, %dot_general3A_36 {dimension_numbers = #tpu.dot_dimension_numbers<[1], [0], [0], [1], [0, 0, 1, 1], [], []>, transpose_lhs_hint = false} : vector<2000x10xf32>, vector<10x64xf32>, vector<2000x64xf32> -> vector<2000x64xf32>
    %swap3A_38 = arith.constant 0 : index
    %swap3A_39 = arith.constant 64 : index
    %swap3A_40 = vector.load %arg10[%swap3A_38, %swap3A_39] : memref<2000x384xf32, #tpu.memory_space<vmem>>, vector<2000x64xf32>
    tpu.vector_store %arg10[%swap3A_38, %swap3A_39], %dot_general3A_37 {strides = array<i32>} : memref<2000x384xf32, #tpu.memory_space<vmem>>, vector<2000x64xf32>,
    %get3A_41 = arith.constant 0 : index
    %get3A_42 = arith.constant 0 : index
    %get3A_43 = vector.load %arg4[%get3A_41, %get3A_42] : memref<1x64xf32, #tpu.memory_space<vmem>>, vector<1x64xf32>
    %mul3A_44 = vector.broadcast %get3A_43 : vector<1x64xf32> to vector<2000x64xf32>
    %mul3A_45 = arith.mulf %dot_general3A_37, %mul3A_44 : vector<2000x64xf32>
    %reduce_sum3A_46 = arith.constant dense<0.000000e+00> : vector<2000xf32>
    %reduce_sum3A_47 = vector.multi_reduction <add>, %mul3A_45, %reduce_sum3A_46 [1] : vector<2000x64xf32> to vector<2000xf32>
    %add3A_48 = arith.addf %reduce_sum3A_47, %reduce_sum3A_21 : vector<2000xf32>
    %broadcast_in_dim3A_49 = vector.shape_cast %add3A_48 : vector<2000xf32> to vector<2000x1xf32>
    %slice3A_50 = vector.extract_strided_slice %get3A_2 {offsets = [2, 0, 0], sizes = [1, 2000, 10], strides = [1, 1, 1]} : vector<4x2000x10xf32> to vector<1x2000x10xf32>
    %squeeze3A_51 = vector.shape_cast %slice3A_50 : vector<1x2000x10xf32> to vector<2000x10xf32>
    %dot_general3A_52 = arith.constant dense<0.000000e+00> : vector<2000x64xf32>
    %dot_general3A_53 = tpu.matmul %squeeze3A_51, %get3A_8, %dot_general3A_52 {dimension_numbers = #tpu.dot_dimension_numbers<[1], [0], [0], [1], [0, 0, 1, 1], [], []>, transpose_lhs_hint = false} : vector<2000x10xf32>, vector<10x64xf32>, vector<2000x64xf32> -> vector<2000x64xf32>
    %swap3A_54 = arith.constant 0 : index
    %swap3A_55 = arith.constant 128 : index
    %swap3A_56 = vector.load %arg10[%swap3A_54, %swap3A_55] : memref<2000x384xf32, #tpu.memory_space<vmem>>, vector<2000x64xf32>
    tpu.vector_store %arg10[%swap3A_54, %swap3A_55], %dot_general3A_53 {strides = array<i32>} : memref<2000x384xf32, #tpu.memory_space<vmem>>, vector<2000x64xf32>,
    %get3A_57 = arith.constant 0 : index
    %get3A_58 = arith.constant 0 : index
    %get3A_59 = vector.load %arg4[%get3A_57, %get3A_58] : memref<1x64xf32, #tpu.memory_space<vmem>>, vector<1x64xf32>
    %mul3A_60 = vector.broadcast %get3A_59 : vector<1x64xf32> to vector<2000x64xf32>
    %mul3A_61 = arith.mulf %dot_general3A_53, %mul3A_60 : vector<2000x64xf32>
    %reduce_sum3A_62 = arith.constant dense<0.000000e+00> : vector<2000xf32>
    %reduce_sum3A_63 = vector.multi_reduction <add>, %mul3A_61, %reduce_sum3A_62 [1] : vector<2000x64xf32> to vector<2000xf32>
    %add3A_64 = arith.addf %reduce_sum3A_63, %reduce_sum3A_21 : vector<2000xf32>
    %broadcast_in_dim3A_65 = vector.shape_cast %add3A_64 : vector<2000xf32> to vector<2000x1xf32>
    %slice3A_66 = vector.extract_strided_slice %get3A_2 {offsets = [3, 0, 0], sizes = [1, 2000, 10], strides = [1, 1, 1]} : vector<4x2000x10xf32> to vector<1x2000x10xf32>
    %squeeze3A_67 = vector.shape_cast %slice3A_66 : vector<1x2000x10xf32> to vector<2000x10xf32>
    %dot_general3A_68 = arith.constant dense<0.000000e+00> : vector<2000x64xf32>
    %dot_general3A_69 = tpu.matmul %squeeze3A_67, %get3A_8, %dot_general3A_68 {dimension_numbers = #tpu.dot_dimension_numbers<[1], [0], [0], [1], [0, 0, 1, 1], [], []>, transpose_lhs_hint = false} : vector<2000x10xf32>, vector<10x64xf32>, vector<2000x64xf32> -> vector<2000x64xf32>
    %swap3A_70 = arith.constant 0 : index
    %swap3A_71 = arith.constant 192 : index
    %swap3A_72 = vector.load %arg10[%swap3A_70, %swap3A_71] : memref<2000x384xf32, #tpu.memory_space<vmem>>, vector<2000x64xf32>
    tpu.vector_store %arg10[%swap3A_70, %swap3A_71], %dot_general3A_69 {strides = array<i32>} : memref<2000x384xf32, #tpu.memory_space<vmem>>, vector<2000x64xf32>,
    %get3A_73 = arith.constant 0 : index
    %get3A_74 = arith.constant 0 : index
    %get3A_75 = vector.load %arg4[%get3A_73, %get3A_74] : memref<1x64xf32, #tpu.memory_space<vmem>>, vector<1x64xf32>
    %mul3A_76 = vector.broadcast %get3A_75 : vector<1x64xf32> to vector<2000x64xf32>
    %mul3A_77 = arith.mulf %dot_general3A_69, %mul3A_76 : vector<2000x64xf32>
    %reduce_sum3A_78 = arith.constant dense<0.000000e+00> : vector<2000xf32>
    %reduce_sum3A_79 = vector.multi_reduction <add>, %mul3A_77, %reduce_sum3A_78 [1] : vector<2000x64xf32> to vector<2000xf32>
    %add3A_80 = arith.addf %reduce_sum3A_79, %reduce_sum3A_21 : vector<2000xf32>
    %broadcast_in_dim3A_81 = vector.shape_cast %add3A_80 : vector<2000xf32> to vector<2000x1xf32>
    %concatenate3A = tpu.concatenate %broadcast_in_dim3A_33, %broadcast_in_dim3A_49, %broadcast_in_dim3A_65, %broadcast_in_dim3A_81 in 1 : vector<2000x1xf32>, vector<2000x1xf32>, vector<2000x1xf32>, vector<2000x1xf32> -> vector<2000x4xf32>
    %swap3A_82 = arith.constant 0 : index
    %swap3A_83 = arith.constant 0 : index
    %swap3A_84 = vector.load %arg9[%swap3A_82, %swap3A_83] : memref<2000x4xf32, #tpu.memory_space<vmem>>, vector<2000x4xf32>
    tpu.vector_store %arg9[%swap3A_82, %swap3A_83], %concatenate3A {strides = array<i32>} : memref<2000x4xf32, #tpu.memory_space<vmem>>, vector<2000x4xf32>,
    %swap3A_85 = arith.constant 0 : index
    %swap3A_86 = arith.constant 256 : index
    %swap3A_87 = vector.load %arg10[%swap3A_85, %swap3A_86] : memref<2000x384xf32, #tpu.memory_space<vmem>>, vector<2000x64xf32>
    tpu.vector_store %arg10[%swap3A_85, %swap3A_86], %get3A_5 {strides = array<i32>} : memref<2000x384xf32, #tpu.memory_space<vmem>>, vector<2000x64xf32>,
    %broadcast_in_dim3A_88 = arith.constant 0.000000e+00 : f32
    %broadcast_in_dim3A_89 = vector.broadcast %broadcast_in_dim3A_88 : f32 to vector<2000x64xf32>
    %swap3A_90 = arith.constant 0 : index
    %swap3A_91 = arith.constant 320 : index
    %swap3A_92 = vector.load %arg10[%swap3A_90, %swap3A_91] : memref<2000x384xf32, #tpu.memory_space<vmem>>, vector<2000x64xf32>
    tpu.vector_store %arg10[%swap3A_90, %swap3A_91], %broadcast_in_dim3A_89 {strides = array<i32>} : memref<2000x384xf32, #tpu.memory_space<vmem>>, vector<2000x64xf32>,
    return
  }
  func.func @transform_0(%arg0: i32) -> (i32, i32, i32) {
    %c0_i32 = arith.constant 0 : i32
    %c0_i32_0 = arith.constant 0 : i32
    %c0_i32_1 = arith.constant 0 : i32
    return %c0_i32, %arg0, %c0_i32_0 : i32, i32, i32
  }
  func.func @transform_1(%arg0: i32) -> (i32, i32) {
    %c0_i32 = arith.constant 0 : i32
    %c0_i32_0 = arith.constant 0 : i32
    return %arg0, %c0_i32 : i32, i32
  }
  func.func @transform_2(%arg0: i32) -> (i32, i32) {
    %c0_i32 = arith.constant 0 : i32
    %c0_i32_0 = arith.constant 0 : i32
    %c0_i32_1 = arith.constant 0 : i32
    return %c0_i32, %c0_i32_0 : i32, i32
  }
  func.func @transform_3(%arg0: i32) -> (i32, i32) {
    %c0_i32 = arith.constant 0 : i32
    %c0_i32_0 = arith.constant 0 : i32
    %c0_i32_1 = arith.constant 0 : i32
    return %c0_i32, %c0_i32_0 : i32, i32
  }
  func.func @transform_4(%arg0: i32) -> (i32, i32) {
    %c0_i32 = arith.constant 0 : i32
    %c0_i32_0 = arith.constant 0 : i32
    %c0_i32_1 = arith.constant 0 : i32
    return %c0_i32, %c0_i32_0 : i32, i32
  }
  func.func @transform_5(%arg0: i32) -> (i32, i32) {
    %c0_i32 = arith.constant 0 : i32
    %c0_i32_0 = arith.constant 0 : i32
    %c0_i32_1 = arith.constant 0 : i32
    return %c0_i32, %c0_i32_0 : i32, i32
  }
  func.func @transform_6(%arg0: i32) -> (i32, i32) {
    %c0_i32 = arith.constant 0 : i32
    %c0_i32_0 = arith.constant 0 : i32
    %c0_i32_1 = arith.constant 0 : i32
    return %c0_i32, %c0_i32_0 : i32, i32
  }
  func.func @transform_7(%arg0: i32) -> (i32, i32) {
    %c0_i32 = arith.constant 0 : i32
    %c0_i32_0 = arith.constant 0 : i32
    return %arg0, %c0_i32 : i32, i32
  }
  func.func @transform_8(%arg0: i32) -> (i32, i32) {
    %c0_i32 = arith.constant 0 : i32
    %c0_i32_0 = arith.constant 0 : i32
    return %arg0, %c0_i32 : i32, i32
  }
  func.func @transform_9(%arg0: i32) -> (i32, i32) {
    %c0_i32 = arith.constant 0 : i32
    %c0_i32_0 = arith.constant 0 : i32
    return %arg0, %c0_i32 : i32, i32
  }
}

module attributes {stable_mosaic.version = 14 : i64} {
  func.func @_topk_body(%arg0: i32, %arg1: memref<128x64xf32, #tpu.memory_space<vmem>>, %arg2: memref<64x10000xf32, #tpu.memory_space<vmem>>, %arg3: memref<128x20xf32, #tpu.memory_space<vmem>>, %arg4: memref<128x20xi32, #tpu.memory_space<vmem>>) attributes {dimension_semantics = [#tpu.dimension_semantics<arbitrary>], iteration_bounds = array<i64: 79>, scalar_prefetch = 0 : i64, scratch_operands = 0 : i64, tpu.core_type = #tpu.core_type<tc>, window_params = [{transform_indices = @transform_0, window_bounds = array<i64: 128, 64>}, {pipeline_mode = #tpu.pipeline_mode<synchronous>, transform_indices = @transform_1, window_bounds = array<i64: 64, 10000>}, {transform_indices = @transform_2, window_bounds = array<i64: 128, 20>}, {transform_indices = @transform_3, window_bounds = array<i64: 128, 20>}]} {
    %get3A = arith.constant 0 : index
    %get3A_0 = arith.constant 0 : index
    %get3A_1 = vector.load %arg1[%get3A, %get3A_0] : memref<128x64xf32, #tpu.memory_space<vmem>>, vector<128x64xf32>
    %get3A_2 = arith.constant 0 : index
    %get3A_3 = arith.constant 0 : index
    %get3A_4 = vector.load %arg2[%get3A_2, %get3A_3] : memref<64x10000xf32, #tpu.memory_space<vmem>>, vector<64x10000xf32>
    %dot_general3A = arith.constant dense<0.000000e+00> : vector<128x10000xf32>
    %dot_general3A_5 = tpu.matmul %get3A_1, %get3A_4, %dot_general3A {dimension_numbers = #tpu.dot_dimension_numbers<[1], [0], [0], [1], [0, 0, 1, 1], [], []>, transpose_lhs_hint = false} : vector<128x64xf32>, vector<64x10000xf32>, vector<128x10000xf32> -> vector<128x10000xf32>
    %iota3A = tpu.iota {dimensions = array<i32: 1>} : vector<128x10000xi32>
    %reduce_max3A = arith.constant dense<0xFF800000> : vector<128xf32>
    %reduce_max3A_6 = vector.multi_reduction <maximumf>, %dot_general3A_5, %reduce_max3A [1] : vector<128x10000xf32> to vector<128xf32>
    %broadcast_in_dim3A = vector.shape_cast %reduce_max3A_6 : vector<128xf32> to vector<128x1xf32>
    %eq3A = vector.broadcast %broadcast_in_dim3A : vector<128x1xf32> to vector<128x10000xf32>
    %eq3A_7 = arith.cmpf oeq, %dot_general3A_5, %eq3A : vector<128x10000xf32>
    %jit3A = arith.constant 10000 : i32
    %broadcast_in_dim3A_8 = vector.broadcast %jit3A : i32 to vector<128x10000xi32>
    %select_n3A = arith.select %eq3A_7, %iota3A, %broadcast_in_dim3A_8 : vector<128x10000xi1>, vector<128x10000xi32>
    %reduce_min3A = arith.constant dense<2147483647> : vector<128xi32>
    %reduce_min3A_9 = vector.multi_reduction <minsi>, %select_n3A, %reduce_min3A [1] : vector<128x10000xi32> to vector<128xi32>
    %broadcast_in_dim3A_10 = vector.shape_cast %reduce_min3A_9 : vector<128xi32> to vector<128x1xi32>
    %eq3A_11 = vector.broadcast %broadcast_in_dim3A_10 : vector<128x1xi32> to vector<128x10000xi32>
    %eq3A_12 = arith.cmpi eq, %iota3A, %eq3A_11 : vector<128x10000xi32>
    %jit3A_13 = arith.constant -3.000000e+00 : f32
    %broadcast_in_dim3A_14 = vector.broadcast %jit3A_13 : f32 to vector<128x10000xf32>
    %select_n3A_15 = arith.select %eq3A_12, %broadcast_in_dim3A_14, %dot_general3A_5 : vector<128x10000xi1>, vector<128x10000xf32>
    %reduce_max3A_16 = arith.constant dense<0xFF800000> : vector<128xf32>
    %reduce_max3A_17 = vector.multi_reduction <maximumf>, %select_n3A_15, %reduce_max3A_16 [1] : vector<128x10000xf32> to vector<128xf32>
    %broadcast_in_dim3A_18 = vector.shape_cast %reduce_max3A_17 : vector<128xf32> to vector<128x1xf32>
    %eq3A_19 = vector.broadcast %broadcast_in_dim3A_18 : vector<128x1xf32> to vector<128x10000xf32>
    %eq3A_20 = arith.cmpf oeq, %select_n3A_15, %eq3A_19 : vector<128x10000xf32>
    %jit3A_21 = arith.constant 10000 : i32
    %broadcast_in_dim3A_22 = vector.broadcast %jit3A_21 : i32 to vector<128x10000xi32>
    %select_n3A_23 = arith.select %eq3A_20, %iota3A, %broadcast_in_dim3A_22 : vector<128x10000xi1>, vector<128x10000xi32>
    %reduce_min3A_24 = arith.constant dense<2147483647> : vector<128xi32>
    %reduce_min3A_25 = vector.multi_reduction <minsi>, %select_n3A_23, %reduce_min3A_24 [1] : vector<128x10000xi32> to vector<128xi32>
    %broadcast_in_dim3A_26 = vector.shape_cast %reduce_min3A_25 : vector<128xi32> to vector<128x1xi32>
    %eq3A_27 = vector.broadcast %broadcast_in_dim3A_26 : vector<128x1xi32> to vector<128x10000xi32>
    %eq3A_28 = arith.cmpi eq, %iota3A, %eq3A_27 : vector<128x10000xi32>
    %jit3A_29 = arith.constant -3.000000e+00 : f32
    %broadcast_in_dim3A_30 = vector.broadcast %jit3A_29 : f32 to vector<128x10000xf32>
    %select_n3A_31 = arith.select %eq3A_28, %broadcast_in_dim3A_30, %select_n3A_15 : vector<128x10000xi1>, vector<128x10000xf32>
    %reduce_max3A_32 = arith.constant dense<0xFF800000> : vector<128xf32>
    %reduce_max3A_33 = vector.multi_reduction <maximumf>, %select_n3A_31, %reduce_max3A_32 [1] : vector<128x10000xf32> to vector<128xf32>
    %broadcast_in_dim3A_34 = vector.shape_cast %reduce_max3A_33 : vector<128xf32> to vector<128x1xf32>
    %eq3A_35 = vector.broadcast %broadcast_in_dim3A_34 : vector<128x1xf32> to vector<128x10000xf32>
    %eq3A_36 = arith.cmpf oeq, %select_n3A_31, %eq3A_35 : vector<128x10000xf32>
    %jit3A_37 = arith.constant 10000 : i32
    %broadcast_in_dim3A_38 = vector.broadcast %jit3A_37 : i32 to vector<128x10000xi32>
    %select_n3A_39 = arith.select %eq3A_36, %iota3A, %broadcast_in_dim3A_38 : vector<128x10000xi1>, vector<128x10000xi32>
    %reduce_min3A_40 = arith.constant dense<2147483647> : vector<128xi32>
    %reduce_min3A_41 = vector.multi_reduction <minsi>, %select_n3A_39, %reduce_min3A_40 [1] : vector<128x10000xi32> to vector<128xi32>
    %broadcast_in_dim3A_42 = vector.shape_cast %reduce_min3A_41 : vector<128xi32> to vector<128x1xi32>
    %eq3A_43 = vector.broadcast %broadcast_in_dim3A_42 : vector<128x1xi32> to vector<128x10000xi32>
    %eq3A_44 = arith.cmpi eq, %iota3A, %eq3A_43 : vector<128x10000xi32>
    %jit3A_45 = arith.constant -3.000000e+00 : f32
    %broadcast_in_dim3A_46 = vector.broadcast %jit3A_45 : f32 to vector<128x10000xf32>
    %select_n3A_47 = arith.select %eq3A_44, %broadcast_in_dim3A_46, %select_n3A_31 : vector<128x10000xi1>, vector<128x10000xf32>
    %reduce_max3A_48 = arith.constant dense<0xFF800000> : vector<128xf32>
    %reduce_max3A_49 = vector.multi_reduction <maximumf>, %select_n3A_47, %reduce_max3A_48 [1] : vector<128x10000xf32> to vector<128xf32>
    %broadcast_in_dim3A_50 = vector.shape_cast %reduce_max3A_49 : vector<128xf32> to vector<128x1xf32>
    %eq3A_51 = vector.broadcast %broadcast_in_dim3A_50 : vector<128x1xf32> to vector<128x10000xf32>
    %eq3A_52 = arith.cmpf oeq, %select_n3A_47, %eq3A_51 : vector<128x10000xf32>
    %jit3A_53 = arith.constant 10000 : i32
    %broadcast_in_dim3A_54 = vector.broadcast %jit3A_53 : i32 to vector<128x10000xi32>
    %select_n3A_55 = arith.select %eq3A_52, %iota3A, %broadcast_in_dim3A_54 : vector<128x10000xi1>, vector<128x10000xi32>
    %reduce_min3A_56 = arith.constant dense<2147483647> : vector<128xi32>
    %reduce_min3A_57 = vector.multi_reduction <minsi>, %select_n3A_55, %reduce_min3A_56 [1] : vector<128x10000xi32> to vector<128xi32>
    %broadcast_in_dim3A_58 = vector.shape_cast %reduce_min3A_57 : vector<128xi32> to vector<128x1xi32>
    %eq3A_59 = vector.broadcast %broadcast_in_dim3A_58 : vector<128x1xi32> to vector<128x10000xi32>
    %eq3A_60 = arith.cmpi eq, %iota3A, %eq3A_59 : vector<128x10000xi32>
    %jit3A_61 = arith.constant -3.000000e+00 : f32
    %broadcast_in_dim3A_62 = vector.broadcast %jit3A_61 : f32 to vector<128x10000xf32>
    %select_n3A_63 = arith.select %eq3A_60, %broadcast_in_dim3A_62, %select_n3A_47 : vector<128x10000xi1>, vector<128x10000xf32>
    %reduce_max3A_64 = arith.constant dense<0xFF800000> : vector<128xf32>
    %reduce_max3A_65 = vector.multi_reduction <maximumf>, %select_n3A_63, %reduce_max3A_64 [1] : vector<128x10000xf32> to vector<128xf32>
    %broadcast_in_dim3A_66 = vector.shape_cast %reduce_max3A_65 : vector<128xf32> to vector<128x1xf32>
    %eq3A_67 = vector.broadcast %broadcast_in_dim3A_66 : vector<128x1xf32> to vector<128x10000xf32>
    %eq3A_68 = arith.cmpf oeq, %select_n3A_63, %eq3A_67 : vector<128x10000xf32>
    %jit3A_69 = arith.constant 10000 : i32
    %broadcast_in_dim3A_70 = vector.broadcast %jit3A_69 : i32 to vector<128x10000xi32>
    %select_n3A_71 = arith.select %eq3A_68, %iota3A, %broadcast_in_dim3A_70 : vector<128x10000xi1>, vector<128x10000xi32>
    %reduce_min3A_72 = arith.constant dense<2147483647> : vector<128xi32>
    %reduce_min3A_73 = vector.multi_reduction <minsi>, %select_n3A_71, %reduce_min3A_72 [1] : vector<128x10000xi32> to vector<128xi32>
    %broadcast_in_dim3A_74 = vector.shape_cast %reduce_min3A_73 : vector<128xi32> to vector<128x1xi32>
    %eq3A_75 = vector.broadcast %broadcast_in_dim3A_74 : vector<128x1xi32> to vector<128x10000xi32>
    %eq3A_76 = arith.cmpi eq, %iota3A, %eq3A_75 : vector<128x10000xi32>
    %jit3A_77 = arith.constant -3.000000e+00 : f32
    %broadcast_in_dim3A_78 = vector.broadcast %jit3A_77 : f32 to vector<128x10000xf32>
    %select_n3A_79 = arith.select %eq3A_76, %broadcast_in_dim3A_78, %select_n3A_63 : vector<128x10000xi1>, vector<128x10000xf32>
    %reduce_max3A_80 = arith.constant dense<0xFF800000> : vector<128xf32>
    %reduce_max3A_81 = vector.multi_reduction <maximumf>, %select_n3A_79, %reduce_max3A_80 [1] : vector<128x10000xf32> to vector<128xf32>
    %broadcast_in_dim3A_82 = vector.shape_cast %reduce_max3A_81 : vector<128xf32> to vector<128x1xf32>
    %eq3A_83 = vector.broadcast %broadcast_in_dim3A_82 : vector<128x1xf32> to vector<128x10000xf32>
    %eq3A_84 = arith.cmpf oeq, %select_n3A_79, %eq3A_83 : vector<128x10000xf32>
    %jit3A_85 = arith.constant 10000 : i32
    %broadcast_in_dim3A_86 = vector.broadcast %jit3A_85 : i32 to vector<128x10000xi32>
    %select_n3A_87 = arith.select %eq3A_84, %iota3A, %broadcast_in_dim3A_86 : vector<128x10000xi1>, vector<128x10000xi32>
    %reduce_min3A_88 = arith.constant dense<2147483647> : vector<128xi32>
    %reduce_min3A_89 = vector.multi_reduction <minsi>, %select_n3A_87, %reduce_min3A_88 [1] : vector<128x10000xi32> to vector<128xi32>
    %broadcast_in_dim3A_90 = vector.shape_cast %reduce_min3A_89 : vector<128xi32> to vector<128x1xi32>
    %eq3A_91 = vector.broadcast %broadcast_in_dim3A_90 : vector<128x1xi32> to vector<128x10000xi32>
    %eq3A_92 = arith.cmpi eq, %iota3A, %eq3A_91 : vector<128x10000xi32>
    %jit3A_93 = arith.constant -3.000000e+00 : f32
    %broadcast_in_dim3A_94 = vector.broadcast %jit3A_93 : f32 to vector<128x10000xf32>
    %select_n3A_95 = arith.select %eq3A_92, %broadcast_in_dim3A_94, %select_n3A_79 : vector<128x10000xi1>, vector<128x10000xf32>
    %reduce_max3A_96 = arith.constant dense<0xFF800000> : vector<128xf32>
    %reduce_max3A_97 = vector.multi_reduction <maximumf>, %select_n3A_95, %reduce_max3A_96 [1] : vector<128x10000xf32> to vector<128xf32>
    %broadcast_in_dim3A_98 = vector.shape_cast %reduce_max3A_97 : vector<128xf32> to vector<128x1xf32>
    %eq3A_99 = vector.broadcast %broadcast_in_dim3A_98 : vector<128x1xf32> to vector<128x10000xf32>
    %eq3A_100 = arith.cmpf oeq, %select_n3A_95, %eq3A_99 : vector<128x10000xf32>
    %jit3A_101 = arith.constant 10000 : i32
    %broadcast_in_dim3A_102 = vector.broadcast %jit3A_101 : i32 to vector<128x10000xi32>
    %select_n3A_103 = arith.select %eq3A_100, %iota3A, %broadcast_in_dim3A_102 : vector<128x10000xi1>, vector<128x10000xi32>
    %reduce_min3A_104 = arith.constant dense<2147483647> : vector<128xi32>
    %reduce_min3A_105 = vector.multi_reduction <minsi>, %select_n3A_103, %reduce_min3A_104 [1] : vector<128x10000xi32> to vector<128xi32>
    %broadcast_in_dim3A_106 = vector.shape_cast %reduce_min3A_105 : vector<128xi32> to vector<128x1xi32>
    %eq3A_107 = vector.broadcast %broadcast_in_dim3A_106 : vector<128x1xi32> to vector<128x10000xi32>
    %eq3A_108 = arith.cmpi eq, %iota3A, %eq3A_107 : vector<128x10000xi32>
    %jit3A_109 = arith.constant -3.000000e+00 : f32
    %broadcast_in_dim3A_110 = vector.broadcast %jit3A_109 : f32 to vector<128x10000xf32>
    %select_n3A_111 = arith.select %eq3A_108, %broadcast_in_dim3A_110, %select_n3A_95 : vector<128x10000xi1>, vector<128x10000xf32>
    %reduce_max3A_112 = arith.constant dense<0xFF800000> : vector<128xf32>
    %reduce_max3A_113 = vector.multi_reduction <maximumf>, %select_n3A_111, %reduce_max3A_112 [1] : vector<128x10000xf32> to vector<128xf32>
    %broadcast_in_dim3A_114 = vector.shape_cast %reduce_max3A_113 : vector<128xf32> to vector<128x1xf32>
    %eq3A_115 = vector.broadcast %broadcast_in_dim3A_114 : vector<128x1xf32> to vector<128x10000xf32>
    %eq3A_116 = arith.cmpf oeq, %select_n3A_111, %eq3A_115 : vector<128x10000xf32>
    %jit3A_117 = arith.constant 10000 : i32
    %broadcast_in_dim3A_118 = vector.broadcast %jit3A_117 : i32 to vector<128x10000xi32>
    %select_n3A_119 = arith.select %eq3A_116, %iota3A, %broadcast_in_dim3A_118 : vector<128x10000xi1>, vector<128x10000xi32>
    %reduce_min3A_120 = arith.constant dense<2147483647> : vector<128xi32>
    %reduce_min3A_121 = vector.multi_reduction <minsi>, %select_n3A_119, %reduce_min3A_120 [1] : vector<128x10000xi32> to vector<128xi32>
    %broadcast_in_dim3A_122 = vector.shape_cast %reduce_min3A_121 : vector<128xi32> to vector<128x1xi32>
    %eq3A_123 = vector.broadcast %broadcast_in_dim3A_122 : vector<128x1xi32> to vector<128x10000xi32>
    %eq3A_124 = arith.cmpi eq, %iota3A, %eq3A_123 : vector<128x10000xi32>
    %jit3A_125 = arith.constant -3.000000e+00 : f32
    %broadcast_in_dim3A_126 = vector.broadcast %jit3A_125 : f32 to vector<128x10000xf32>
    %select_n3A_127 = arith.select %eq3A_124, %broadcast_in_dim3A_126, %select_n3A_111 : vector<128x10000xi1>, vector<128x10000xf32>
    %reduce_max3A_128 = arith.constant dense<0xFF800000> : vector<128xf32>
    %reduce_max3A_129 = vector.multi_reduction <maximumf>, %select_n3A_127, %reduce_max3A_128 [1] : vector<128x10000xf32> to vector<128xf32>
    %broadcast_in_dim3A_130 = vector.shape_cast %reduce_max3A_129 : vector<128xf32> to vector<128x1xf32>
    %eq3A_131 = vector.broadcast %broadcast_in_dim3A_130 : vector<128x1xf32> to vector<128x10000xf32>
    %eq3A_132 = arith.cmpf oeq, %select_n3A_127, %eq3A_131 : vector<128x10000xf32>
    %jit3A_133 = arith.constant 10000 : i32
    %broadcast_in_dim3A_134 = vector.broadcast %jit3A_133 : i32 to vector<128x10000xi32>
    %select_n3A_135 = arith.select %eq3A_132, %iota3A, %broadcast_in_dim3A_134 : vector<128x10000xi1>, vector<128x10000xi32>
    %reduce_min3A_136 = arith.constant dense<2147483647> : vector<128xi32>
    %reduce_min3A_137 = vector.multi_reduction <minsi>, %select_n3A_135, %reduce_min3A_136 [1] : vector<128x10000xi32> to vector<128xi32>
    %broadcast_in_dim3A_138 = vector.shape_cast %reduce_min3A_137 : vector<128xi32> to vector<128x1xi32>
    %eq3A_139 = vector.broadcast %broadcast_in_dim3A_138 : vector<128x1xi32> to vector<128x10000xi32>
    %eq3A_140 = arith.cmpi eq, %iota3A, %eq3A_139 : vector<128x10000xi32>
    %jit3A_141 = arith.constant -3.000000e+00 : f32
    %broadcast_in_dim3A_142 = vector.broadcast %jit3A_141 : f32 to vector<128x10000xf32>
    %select_n3A_143 = arith.select %eq3A_140, %broadcast_in_dim3A_142, %select_n3A_127 : vector<128x10000xi1>, vector<128x10000xf32>
    %reduce_max3A_144 = arith.constant dense<0xFF800000> : vector<128xf32>
    %reduce_max3A_145 = vector.multi_reduction <maximumf>, %select_n3A_143, %reduce_max3A_144 [1] : vector<128x10000xf32> to vector<128xf32>
    %broadcast_in_dim3A_146 = vector.shape_cast %reduce_max3A_145 : vector<128xf32> to vector<128x1xf32>
    %eq3A_147 = vector.broadcast %broadcast_in_dim3A_146 : vector<128x1xf32> to vector<128x10000xf32>
    %eq3A_148 = arith.cmpf oeq, %select_n3A_143, %eq3A_147 : vector<128x10000xf32>
    %jit3A_149 = arith.constant 10000 : i32
    %broadcast_in_dim3A_150 = vector.broadcast %jit3A_149 : i32 to vector<128x10000xi32>
    %select_n3A_151 = arith.select %eq3A_148, %iota3A, %broadcast_in_dim3A_150 : vector<128x10000xi1>, vector<128x10000xi32>
    %reduce_min3A_152 = arith.constant dense<2147483647> : vector<128xi32>
    %reduce_min3A_153 = vector.multi_reduction <minsi>, %select_n3A_151, %reduce_min3A_152 [1] : vector<128x10000xi32> to vector<128xi32>
    %broadcast_in_dim3A_154 = vector.shape_cast %reduce_min3A_153 : vector<128xi32> to vector<128x1xi32>
    %eq3A_155 = vector.broadcast %broadcast_in_dim3A_154 : vector<128x1xi32> to vector<128x10000xi32>
    %eq3A_156 = arith.cmpi eq, %iota3A, %eq3A_155 : vector<128x10000xi32>
    %jit3A_157 = arith.constant -3.000000e+00 : f32
    %broadcast_in_dim3A_158 = vector.broadcast %jit3A_157 : f32 to vector<128x10000xf32>
    %select_n3A_159 = arith.select %eq3A_156, %broadcast_in_dim3A_158, %select_n3A_143 : vector<128x10000xi1>, vector<128x10000xf32>
    %reduce_max3A_160 = arith.constant dense<0xFF800000> : vector<128xf32>
    %reduce_max3A_161 = vector.multi_reduction <maximumf>, %select_n3A_159, %reduce_max3A_160 [1] : vector<128x10000xf32> to vector<128xf32>
    %broadcast_in_dim3A_162 = vector.shape_cast %reduce_max3A_161 : vector<128xf32> to vector<128x1xf32>
    %eq3A_163 = vector.broadcast %broadcast_in_dim3A_162 : vector<128x1xf32> to vector<128x10000xf32>
    %eq3A_164 = arith.cmpf oeq, %select_n3A_159, %eq3A_163 : vector<128x10000xf32>
    %jit3A_165 = arith.constant 10000 : i32
    %broadcast_in_dim3A_166 = vector.broadcast %jit3A_165 : i32 to vector<128x10000xi32>
    %select_n3A_167 = arith.select %eq3A_164, %iota3A, %broadcast_in_dim3A_166 : vector<128x10000xi1>, vector<128x10000xi32>
    %reduce_min3A_168 = arith.constant dense<2147483647> : vector<128xi32>
    %reduce_min3A_169 = vector.multi_reduction <minsi>, %select_n3A_167, %reduce_min3A_168 [1] : vector<128x10000xi32> to vector<128xi32>
    %broadcast_in_dim3A_170 = vector.shape_cast %reduce_min3A_169 : vector<128xi32> to vector<128x1xi32>
    %eq3A_171 = vector.broadcast %broadcast_in_dim3A_170 : vector<128x1xi32> to vector<128x10000xi32>
    %eq3A_172 = arith.cmpi eq, %iota3A, %eq3A_171 : vector<128x10000xi32>
    %jit3A_173 = arith.constant -3.000000e+00 : f32
    %broadcast_in_dim3A_174 = vector.broadcast %jit3A_173 : f32 to vector<128x10000xf32>
    %select_n3A_175 = arith.select %eq3A_172, %broadcast_in_dim3A_174, %select_n3A_159 : vector<128x10000xi1>, vector<128x10000xf32>
    %reduce_max3A_176 = arith.constant dense<0xFF800000> : vector<128xf32>
    %reduce_max3A_177 = vector.multi_reduction <maximumf>, %select_n3A_175, %reduce_max3A_176 [1] : vector<128x10000xf32> to vector<128xf32>
    %broadcast_in_dim3A_178 = vector.shape_cast %reduce_max3A_177 : vector<128xf32> to vector<128x1xf32>
    %eq3A_179 = vector.broadcast %broadcast_in_dim3A_178 : vector<128x1xf32> to vector<128x10000xf32>
    %eq3A_180 = arith.cmpf oeq, %select_n3A_175, %eq3A_179 : vector<128x10000xf32>
    %jit3A_181 = arith.constant 10000 : i32
    %broadcast_in_dim3A_182 = vector.broadcast %jit3A_181 : i32 to vector<128x10000xi32>
    %select_n3A_183 = arith.select %eq3A_180, %iota3A, %broadcast_in_dim3A_182 : vector<128x10000xi1>, vector<128x10000xi32>
    %reduce_min3A_184 = arith.constant dense<2147483647> : vector<128xi32>
    %reduce_min3A_185 = vector.multi_reduction <minsi>, %select_n3A_183, %reduce_min3A_184 [1] : vector<128x10000xi32> to vector<128xi32>
    %broadcast_in_dim3A_186 = vector.shape_cast %reduce_min3A_185 : vector<128xi32> to vector<128x1xi32>
    %eq3A_187 = vector.broadcast %broadcast_in_dim3A_186 : vector<128x1xi32> to vector<128x10000xi32>
    %eq3A_188 = arith.cmpi eq, %iota3A, %eq3A_187 : vector<128x10000xi32>
    %jit3A_189 = arith.constant -3.000000e+00 : f32
    %broadcast_in_dim3A_190 = vector.broadcast %jit3A_189 : f32 to vector<128x10000xf32>
    %select_n3A_191 = arith.select %eq3A_188, %broadcast_in_dim3A_190, %select_n3A_175 : vector<128x10000xi1>, vector<128x10000xf32>
    %reduce_max3A_192 = arith.constant dense<0xFF800000> : vector<128xf32>
    %reduce_max3A_193 = vector.multi_reduction <maximumf>, %select_n3A_191, %reduce_max3A_192 [1] : vector<128x10000xf32> to vector<128xf32>
    %broadcast_in_dim3A_194 = vector.shape_cast %reduce_max3A_193 : vector<128xf32> to vector<128x1xf32>
    %eq3A_195 = vector.broadcast %broadcast_in_dim3A_194 : vector<128x1xf32> to vector<128x10000xf32>
    %eq3A_196 = arith.cmpf oeq, %select_n3A_191, %eq3A_195 : vector<128x10000xf32>
    %jit3A_197 = arith.constant 10000 : i32
    %broadcast_in_dim3A_198 = vector.broadcast %jit3A_197 : i32 to vector<128x10000xi32>
    %select_n3A_199 = arith.select %eq3A_196, %iota3A, %broadcast_in_dim3A_198 : vector<128x10000xi1>, vector<128x10000xi32>
    %reduce_min3A_200 = arith.constant dense<2147483647> : vector<128xi32>
    %reduce_min3A_201 = vector.multi_reduction <minsi>, %select_n3A_199, %reduce_min3A_200 [1] : vector<128x10000xi32> to vector<128xi32>
    %broadcast_in_dim3A_202 = vector.shape_cast %reduce_min3A_201 : vector<128xi32> to vector<128x1xi32>
    %eq3A_203 = vector.broadcast %broadcast_in_dim3A_202 : vector<128x1xi32> to vector<128x10000xi32>
    %eq3A_204 = arith.cmpi eq, %iota3A, %eq3A_203 : vector<128x10000xi32>
    %jit3A_205 = arith.constant -3.000000e+00 : f32
    %broadcast_in_dim3A_206 = vector.broadcast %jit3A_205 : f32 to vector<128x10000xf32>
    %select_n3A_207 = arith.select %eq3A_204, %broadcast_in_dim3A_206, %select_n3A_191 : vector<128x10000xi1>, vector<128x10000xf32>
    %reduce_max3A_208 = arith.constant dense<0xFF800000> : vector<128xf32>
    %reduce_max3A_209 = vector.multi_reduction <maximumf>, %select_n3A_207, %reduce_max3A_208 [1] : vector<128x10000xf32> to vector<128xf32>
    %broadcast_in_dim3A_210 = vector.shape_cast %reduce_max3A_209 : vector<128xf32> to vector<128x1xf32>
    %eq3A_211 = vector.broadcast %broadcast_in_dim3A_210 : vector<128x1xf32> to vector<128x10000xf32>
    %eq3A_212 = arith.cmpf oeq, %select_n3A_207, %eq3A_211 : vector<128x10000xf32>
    %jit3A_213 = arith.constant 10000 : i32
    %broadcast_in_dim3A_214 = vector.broadcast %jit3A_213 : i32 to vector<128x10000xi32>
    %select_n3A_215 = arith.select %eq3A_212, %iota3A, %broadcast_in_dim3A_214 : vector<128x10000xi1>, vector<128x10000xi32>
    %reduce_min3A_216 = arith.constant dense<2147483647> : vector<128xi32>
    %reduce_min3A_217 = vector.multi_reduction <minsi>, %select_n3A_215, %reduce_min3A_216 [1] : vector<128x10000xi32> to vector<128xi32>
    %broadcast_in_dim3A_218 = vector.shape_cast %reduce_min3A_217 : vector<128xi32> to vector<128x1xi32>
    %eq3A_219 = vector.broadcast %broadcast_in_dim3A_218 : vector<128x1xi32> to vector<128x10000xi32>
    %eq3A_220 = arith.cmpi eq, %iota3A, %eq3A_219 : vector<128x10000xi32>
    %jit3A_221 = arith.constant -3.000000e+00 : f32
    %broadcast_in_dim3A_222 = vector.broadcast %jit3A_221 : f32 to vector<128x10000xf32>
    %select_n3A_223 = arith.select %eq3A_220, %broadcast_in_dim3A_222, %select_n3A_207 : vector<128x10000xi1>, vector<128x10000xf32>
    %reduce_max3A_224 = arith.constant dense<0xFF800000> : vector<128xf32>
    %reduce_max3A_225 = vector.multi_reduction <maximumf>, %select_n3A_223, %reduce_max3A_224 [1] : vector<128x10000xf32> to vector<128xf32>
    %broadcast_in_dim3A_226 = vector.shape_cast %reduce_max3A_225 : vector<128xf32> to vector<128x1xf32>
    %eq3A_227 = vector.broadcast %broadcast_in_dim3A_226 : vector<128x1xf32> to vector<128x10000xf32>
    %eq3A_228 = arith.cmpf oeq, %select_n3A_223, %eq3A_227 : vector<128x10000xf32>
    %jit3A_229 = arith.constant 10000 : i32
    %broadcast_in_dim3A_230 = vector.broadcast %jit3A_229 : i32 to vector<128x10000xi32>
    %select_n3A_231 = arith.select %eq3A_228, %iota3A, %broadcast_in_dim3A_230 : vector<128x10000xi1>, vector<128x10000xi32>
    %reduce_min3A_232 = arith.constant dense<2147483647> : vector<128xi32>
    %reduce_min3A_233 = vector.multi_reduction <minsi>, %select_n3A_231, %reduce_min3A_232 [1] : vector<128x10000xi32> to vector<128xi32>
    %broadcast_in_dim3A_234 = vector.shape_cast %reduce_min3A_233 : vector<128xi32> to vector<128x1xi32>
    %eq3A_235 = vector.broadcast %broadcast_in_dim3A_234 : vector<128x1xi32> to vector<128x10000xi32>
    %eq3A_236 = arith.cmpi eq, %iota3A, %eq3A_235 : vector<128x10000xi32>
    %jit3A_237 = arith.constant -3.000000e+00 : f32
    %broadcast_in_dim3A_238 = vector.broadcast %jit3A_237 : f32 to vector<128x10000xf32>
    %select_n3A_239 = arith.select %eq3A_236, %broadcast_in_dim3A_238, %select_n3A_223 : vector<128x10000xi1>, vector<128x10000xf32>
    %reduce_max3A_240 = arith.constant dense<0xFF800000> : vector<128xf32>
    %reduce_max3A_241 = vector.multi_reduction <maximumf>, %select_n3A_239, %reduce_max3A_240 [1] : vector<128x10000xf32> to vector<128xf32>
    %broadcast_in_dim3A_242 = vector.shape_cast %reduce_max3A_241 : vector<128xf32> to vector<128x1xf32>
    %eq3A_243 = vector.broadcast %broadcast_in_dim3A_242 : vector<128x1xf32> to vector<128x10000xf32>
    %eq3A_244 = arith.cmpf oeq, %select_n3A_239, %eq3A_243 : vector<128x10000xf32>
    %jit3A_245 = arith.constant 10000 : i32
    %broadcast_in_dim3A_246 = vector.broadcast %jit3A_245 : i32 to vector<128x10000xi32>
    %select_n3A_247 = arith.select %eq3A_244, %iota3A, %broadcast_in_dim3A_246 : vector<128x10000xi1>, vector<128x10000xi32>
    %reduce_min3A_248 = arith.constant dense<2147483647> : vector<128xi32>
    %reduce_min3A_249 = vector.multi_reduction <minsi>, %select_n3A_247, %reduce_min3A_248 [1] : vector<128x10000xi32> to vector<128xi32>
    %broadcast_in_dim3A_250 = vector.shape_cast %reduce_min3A_249 : vector<128xi32> to vector<128x1xi32>
    %eq3A_251 = vector.broadcast %broadcast_in_dim3A_250 : vector<128x1xi32> to vector<128x10000xi32>
    %eq3A_252 = arith.cmpi eq, %iota3A, %eq3A_251 : vector<128x10000xi32>
    %jit3A_253 = arith.constant -3.000000e+00 : f32
    %broadcast_in_dim3A_254 = vector.broadcast %jit3A_253 : f32 to vector<128x10000xf32>
    %select_n3A_255 = arith.select %eq3A_252, %broadcast_in_dim3A_254, %select_n3A_239 : vector<128x10000xi1>, vector<128x10000xf32>
    %reduce_max3A_256 = arith.constant dense<0xFF800000> : vector<128xf32>
    %reduce_max3A_257 = vector.multi_reduction <maximumf>, %select_n3A_255, %reduce_max3A_256 [1] : vector<128x10000xf32> to vector<128xf32>
    %broadcast_in_dim3A_258 = vector.shape_cast %reduce_max3A_257 : vector<128xf32> to vector<128x1xf32>
    %eq3A_259 = vector.broadcast %broadcast_in_dim3A_258 : vector<128x1xf32> to vector<128x10000xf32>
    %eq3A_260 = arith.cmpf oeq, %select_n3A_255, %eq3A_259 : vector<128x10000xf32>
    %jit3A_261 = arith.constant 10000 : i32
    %broadcast_in_dim3A_262 = vector.broadcast %jit3A_261 : i32 to vector<128x10000xi32>
    %select_n3A_263 = arith.select %eq3A_260, %iota3A, %broadcast_in_dim3A_262 : vector<128x10000xi1>, vector<128x10000xi32>
    %reduce_min3A_264 = arith.constant dense<2147483647> : vector<128xi32>
    %reduce_min3A_265 = vector.multi_reduction <minsi>, %select_n3A_263, %reduce_min3A_264 [1] : vector<128x10000xi32> to vector<128xi32>
    %broadcast_in_dim3A_266 = vector.shape_cast %reduce_min3A_265 : vector<128xi32> to vector<128x1xi32>
    %eq3A_267 = vector.broadcast %broadcast_in_dim3A_266 : vector<128x1xi32> to vector<128x10000xi32>
    %eq3A_268 = arith.cmpi eq, %iota3A, %eq3A_267 : vector<128x10000xi32>
    %jit3A_269 = arith.constant -3.000000e+00 : f32
    %broadcast_in_dim3A_270 = vector.broadcast %jit3A_269 : f32 to vector<128x10000xf32>
    %select_n3A_271 = arith.select %eq3A_268, %broadcast_in_dim3A_270, %select_n3A_255 : vector<128x10000xi1>, vector<128x10000xf32>
    %reduce_max3A_272 = arith.constant dense<0xFF800000> : vector<128xf32>
    %reduce_max3A_273 = vector.multi_reduction <maximumf>, %select_n3A_271, %reduce_max3A_272 [1] : vector<128x10000xf32> to vector<128xf32>
    %broadcast_in_dim3A_274 = vector.shape_cast %reduce_max3A_273 : vector<128xf32> to vector<128x1xf32>
    %eq3A_275 = vector.broadcast %broadcast_in_dim3A_274 : vector<128x1xf32> to vector<128x10000xf32>
    %eq3A_276 = arith.cmpf oeq, %select_n3A_271, %eq3A_275 : vector<128x10000xf32>
    %jit3A_277 = arith.constant 10000 : i32
    %broadcast_in_dim3A_278 = vector.broadcast %jit3A_277 : i32 to vector<128x10000xi32>
    %select_n3A_279 = arith.select %eq3A_276, %iota3A, %broadcast_in_dim3A_278 : vector<128x10000xi1>, vector<128x10000xi32>
    %reduce_min3A_280 = arith.constant dense<2147483647> : vector<128xi32>
    %reduce_min3A_281 = vector.multi_reduction <minsi>, %select_n3A_279, %reduce_min3A_280 [1] : vector<128x10000xi32> to vector<128xi32>
    %broadcast_in_dim3A_282 = vector.shape_cast %reduce_min3A_281 : vector<128xi32> to vector<128x1xi32>
    %eq3A_283 = vector.broadcast %broadcast_in_dim3A_282 : vector<128x1xi32> to vector<128x10000xi32>
    %eq3A_284 = arith.cmpi eq, %iota3A, %eq3A_283 : vector<128x10000xi32>
    %jit3A_285 = arith.constant -3.000000e+00 : f32
    %broadcast_in_dim3A_286 = vector.broadcast %jit3A_285 : f32 to vector<128x10000xf32>
    %select_n3A_287 = arith.select %eq3A_284, %broadcast_in_dim3A_286, %select_n3A_271 : vector<128x10000xi1>, vector<128x10000xf32>
    %reduce_max3A_288 = arith.constant dense<0xFF800000> : vector<128xf32>
    %reduce_max3A_289 = vector.multi_reduction <maximumf>, %select_n3A_287, %reduce_max3A_288 [1] : vector<128x10000xf32> to vector<128xf32>
    %broadcast_in_dim3A_290 = vector.shape_cast %reduce_max3A_289 : vector<128xf32> to vector<128x1xf32>
    %eq3A_291 = vector.broadcast %broadcast_in_dim3A_290 : vector<128x1xf32> to vector<128x10000xf32>
    %eq3A_292 = arith.cmpf oeq, %select_n3A_287, %eq3A_291 : vector<128x10000xf32>
    %jit3A_293 = arith.constant 10000 : i32
    %broadcast_in_dim3A_294 = vector.broadcast %jit3A_293 : i32 to vector<128x10000xi32>
    %select_n3A_295 = arith.select %eq3A_292, %iota3A, %broadcast_in_dim3A_294 : vector<128x10000xi1>, vector<128x10000xi32>
    %reduce_min3A_296 = arith.constant dense<2147483647> : vector<128xi32>
    %reduce_min3A_297 = vector.multi_reduction <minsi>, %select_n3A_295, %reduce_min3A_296 [1] : vector<128x10000xi32> to vector<128xi32>
    %broadcast_in_dim3A_298 = vector.shape_cast %reduce_min3A_297 : vector<128xi32> to vector<128x1xi32>
    %eq3A_299 = vector.broadcast %broadcast_in_dim3A_298 : vector<128x1xi32> to vector<128x10000xi32>
    %eq3A_300 = arith.cmpi eq, %iota3A, %eq3A_299 : vector<128x10000xi32>
    %jit3A_301 = arith.constant -3.000000e+00 : f32
    %broadcast_in_dim3A_302 = vector.broadcast %jit3A_301 : f32 to vector<128x10000xf32>
    %select_n3A_303 = arith.select %eq3A_300, %broadcast_in_dim3A_302, %select_n3A_287 : vector<128x10000xi1>, vector<128x10000xf32>
    %reduce_max3A_304 = arith.constant dense<0xFF800000> : vector<128xf32>
    %reduce_max3A_305 = vector.multi_reduction <maximumf>, %select_n3A_303, %reduce_max3A_304 [1] : vector<128x10000xf32> to vector<128xf32>
    %broadcast_in_dim3A_306 = vector.shape_cast %reduce_max3A_305 : vector<128xf32> to vector<128x1xf32>
    %eq3A_307 = vector.broadcast %broadcast_in_dim3A_306 : vector<128x1xf32> to vector<128x10000xf32>
    %eq3A_308 = arith.cmpf oeq, %select_n3A_303, %eq3A_307 : vector<128x10000xf32>
    %jit3A_309 = arith.constant 10000 : i32
    %broadcast_in_dim3A_310 = vector.broadcast %jit3A_309 : i32 to vector<128x10000xi32>
    %select_n3A_311 = arith.select %eq3A_308, %iota3A, %broadcast_in_dim3A_310 : vector<128x10000xi1>, vector<128x10000xi32>
    %reduce_min3A_312 = arith.constant dense<2147483647> : vector<128xi32>
    %reduce_min3A_313 = vector.multi_reduction <minsi>, %select_n3A_311, %reduce_min3A_312 [1] : vector<128x10000xi32> to vector<128xi32>
    %broadcast_in_dim3A_314 = vector.shape_cast %reduce_min3A_313 : vector<128xi32> to vector<128x1xi32>
    %concatenate3A = tpu.concatenate %broadcast_in_dim3A, %broadcast_in_dim3A_18, %broadcast_in_dim3A_34, %broadcast_in_dim3A_50, %broadcast_in_dim3A_66, %broadcast_in_dim3A_82, %broadcast_in_dim3A_98, %broadcast_in_dim3A_114, %broadcast_in_dim3A_130, %broadcast_in_dim3A_146, %broadcast_in_dim3A_162, %broadcast_in_dim3A_178, %broadcast_in_dim3A_194, %broadcast_in_dim3A_210, %broadcast_in_dim3A_226, %broadcast_in_dim3A_242, %broadcast_in_dim3A_258, %broadcast_in_dim3A_274, %broadcast_in_dim3A_290, %broadcast_in_dim3A_306 in 1 : vector<128x1xf32>, vector<128x1xf32>, vector<128x1xf32>, vector<128x1xf32>, vector<128x1xf32>, vector<128x1xf32>, vector<128x1xf32>, vector<128x1xf32>, vector<128x1xf32>, vector<128x1xf32>, vector<128x1xf32>, vector<128x1xf32>, vector<128x1xf32>, vector<128x1xf32>, vector<128x1xf32>, vector<128x1xf32>, vector<128x1xf32>, vector<128x1xf32>, vector<128x1xf32>, vector<128x1xf32> -> vector<128x20xf32>
    %swap3A = arith.constant 0 : index
    %swap3A_315 = arith.constant 0 : index
    %swap3A_316 = vector.load %arg3[%swap3A, %swap3A_315] : memref<128x20xf32, #tpu.memory_space<vmem>>, vector<128x20xf32>
    tpu.vector_store %arg3[%swap3A, %swap3A_315], %concatenate3A {strides = array<i32>} : memref<128x20xf32, #tpu.memory_space<vmem>>, vector<128x20xf32>,
    %concatenate3A_317 = tpu.concatenate %broadcast_in_dim3A_10, %broadcast_in_dim3A_26, %broadcast_in_dim3A_42, %broadcast_in_dim3A_58, %broadcast_in_dim3A_74, %broadcast_in_dim3A_90, %broadcast_in_dim3A_106, %broadcast_in_dim3A_122, %broadcast_in_dim3A_138, %broadcast_in_dim3A_154, %broadcast_in_dim3A_170, %broadcast_in_dim3A_186, %broadcast_in_dim3A_202, %broadcast_in_dim3A_218, %broadcast_in_dim3A_234, %broadcast_in_dim3A_250, %broadcast_in_dim3A_266, %broadcast_in_dim3A_282, %broadcast_in_dim3A_298, %broadcast_in_dim3A_314 in 1 : vector<128x1xi32>, vector<128x1xi32>, vector<128x1xi32>, vector<128x1xi32>, vector<128x1xi32>, vector<128x1xi32>, vector<128x1xi32>, vector<128x1xi32>, vector<128x1xi32>, vector<128x1xi32>, vector<128x1xi32>, vector<128x1xi32>, vector<128x1xi32>, vector<128x1xi32>, vector<128x1xi32>, vector<128x1xi32>, vector<128x1xi32>, vector<128x1xi32>, vector<128x1xi32>, vector<128x1xi32> -> vector<128x20xi32>
    %swap3A_318 = arith.constant 0 : index
    %swap3A_319 = arith.constant 0 : index
    %swap3A_320 = vector.load %arg4[%swap3A_318, %swap3A_319] : memref<128x20xi32, #tpu.memory_space<vmem>>, vector<128x20xi32>
    tpu.vector_store %arg4[%swap3A_318, %swap3A_319], %concatenate3A_317 {strides = array<i32>} : memref<128x20xi32, #tpu.memory_space<vmem>>, vector<128x20xi32>,
    return
  }
  func.func @transform_0(%arg0: i32) -> (i32, i32) {
    %c0_i32 = arith.constant 0 : i32
    %c0_i32_0 = arith.constant 0 : i32
    return %arg0, %c0_i32 : i32, i32
  }
  func.func @transform_1(%arg0: i32) -> (i32, i32) {
    %c0_i32 = arith.constant 0 : i32
    %c0_i32_0 = arith.constant 0 : i32
    %c0_i32_1 = arith.constant 0 : i32
    return %c0_i32, %c0_i32_0 : i32, i32
  }
  func.func @transform_2(%arg0: i32) -> (i32, i32) {
    %c0_i32 = arith.constant 0 : i32
    %c0_i32_0 = arith.constant 0 : i32
    return %arg0, %c0_i32 : i32, i32
  }
  func.func @transform_3(%arg0: i32) -> (i32, i32) {
    %c0_i32 = arith.constant 0 : i32
    %c0_i32_0 = arith.constant 0 : i32
    return %arg0, %c0_i32 : i32, i32
  }
}

module attributes {stable_mosaic.version = 14 : i64} {
  func.func @_agg_body(%arg0: i32, %arg1: memref<2560x384xf32, #tpu.memory_space<vmem>>, %arg2: memref<128x4xf32, #tpu.memory_space<vmem>>, %arg3: memref<2560x1xf32, #tpu.memory_space<vmem>>, %arg4: memref<1x64xf32, #tpu.memory_space<vmem>>, %arg5: memref<1x64xf32, #tpu.memory_space<vmem>>, %arg6: memref<1x64xf32, #tpu.memory_space<vmem>>, %arg7: memref<4x128x64xf32, #tpu.memory_space<vmem>>) attributes {dimension_semantics = [#tpu.dimension_semantics<arbitrary>], iteration_bounds = array<i64: 80>, scalar_prefetch = 0 : i64, scratch_operands = 0 : i64, tpu.core_type = #tpu.core_type<tc>, window_params = [{transform_indices = @transform_0, window_bounds = array<i64: 2560, 384>}, {transform_indices = @transform_1, window_bounds = array<i64: 128, 4>}, {transform_indices = @transform_2, window_bounds = array<i64: 2560, 1>}, {pipeline_mode = #tpu.pipeline_mode<synchronous>, transform_indices = @transform_3, window_bounds = array<i64: 1, 64>}, {pipeline_mode = #tpu.pipeline_mode<synchronous>, transform_indices = @transform_4, window_bounds = array<i64: 1, 64>}, {pipeline_mode = #tpu.pipeline_mode<synchronous>, transform_indices = @transform_5, window_bounds = array<i64: 1, 64>}, {transform_indices = @transform_6, window_bounds = array<i64: 4, 128, 64>}]} {
    %get3A = arith.constant 0 : index
    %get3A_0 = arith.constant 0 : index
    %get3A_1 = vector.load %arg1[%get3A, %get3A_0] : memref<2560x384xf32, #tpu.memory_space<vmem>>, vector<2560x384xf32>
    %get3A_2 = arith.constant 0 : index
    %get3A_3 = arith.constant 0 : index
    %get3A_4 = vector.load %arg2[%get3A_2, %get3A_3] : memref<128x4xf32, #tpu.memory_space<vmem>>, vector<128x4xf32>
    %get3A_5 = arith.constant 0 : index
    %get3A_6 = arith.constant 0 : index
    %get3A_7 = vector.load %arg3[%get3A_5, %get3A_6] : memref<2560x1xf32, #tpu.memory_space<vmem>>, vector<2560x1xf32>
    %get3A_8 = arith.constant 0 : index
    %get3A_9 = arith.constant 0 : index
    %get3A_10 = vector.load %arg4[%get3A_8, %get3A_9] : memref<1x64xf32, #tpu.memory_space<vmem>>, vector<1x64xf32>
    %slice3A = vector.extract_strided_slice %get3A_1 {offsets = [0, 256], sizes = [2560, 64], strides = [1, 1]} : vector<2560x384xf32> to vector<2560x64xf32>
    %get3A_11 = arith.constant 0 : index
    %get3A_12 = arith.constant 0 : index
    %get3A_13 = vector.load %arg5[%get3A_11, %get3A_12] : memref<1x64xf32, #tpu.memory_space<vmem>>, vector<1x64xf32>
    %mul3A = vector.broadcast %get3A_13 : vector<1x64xf32> to vector<2560x64xf32>
    %mul3A_14 = arith.mulf %slice3A, %mul3A : vector<2560x64xf32>
    %reduce_sum3A = arith.constant dense<0.000000e+00> : vector<2560xf32>
    %reduce_sum3A_15 = vector.multi_reduction <add>, %mul3A_14, %reduce_sum3A [1] : vector<2560x64xf32> to vector<2560xf32>
    %broadcast_in_dim3A = vector.shape_cast %reduce_sum3A_15 : vector<2560xf32> to vector<2560x1xf32>
    %slice3A_16 = vector.extract_strided_slice %get3A_1 {offsets = [0, 0], sizes = [2560, 64], strides = [1, 1]} : vector<2560x384xf32> to vector<2560x64xf32>
    %mul3A_17 = vector.broadcast %get3A_10 : vector<1x64xf32> to vector<2560x64xf32>
    %mul3A_18 = arith.mulf %slice3A_16, %mul3A_17 : vector<2560x64xf32>
    %reduce_sum3A_19 = arith.constant dense<0.000000e+00> : vector<2560xf32>
    %reduce_sum3A_20 = vector.multi_reduction <add>, %mul3A_18, %reduce_sum3A_19 [1] : vector<2560x64xf32> to vector<2560xf32>
    %broadcast_in_dim3A_21 = vector.shape_cast %reduce_sum3A_20 : vector<2560xf32> to vector<2560x1xf32>
    %add3A = arith.addf %broadcast_in_dim3A_21, %broadcast_in_dim3A : vector<2560x1xf32>
    %slice3A_22 = vector.extract_strided_slice %get3A_1 {offsets = [0, 64], sizes = [2560, 64], strides = [1, 1]} : vector<2560x384xf32> to vector<2560x64xf32>
    %mul3A_23 = vector.broadcast %get3A_10 : vector<1x64xf32> to vector<2560x64xf32>
    %mul3A_24 = arith.mulf %slice3A_22, %mul3A_23 : vector<2560x64xf32>
    %reduce_sum3A_25 = arith.constant dense<0.000000e+00> : vector<2560xf32>
    %reduce_sum3A_26 = vector.multi_reduction <add>, %mul3A_24, %reduce_sum3A_25 [1] : vector<2560x64xf32> to vector<2560xf32>
    %broadcast_in_dim3A_27 = vector.shape_cast %reduce_sum3A_26 : vector<2560xf32> to vector<2560x1xf32>
    %add3A_28 = arith.addf %broadcast_in_dim3A_27, %broadcast_in_dim3A : vector<2560x1xf32>
    %slice3A_29 = vector.extract_strided_slice %get3A_1 {offsets = [0, 128], sizes = [2560, 64], strides = [1, 1]} : vector<2560x384xf32> to vector<2560x64xf32>
    %mul3A_30 = vector.broadcast %get3A_10 : vector<1x64xf32> to vector<2560x64xf32>
    %mul3A_31 = arith.mulf %slice3A_29, %mul3A_30 : vector<2560x64xf32>
    %reduce_sum3A_32 = arith.constant dense<0.000000e+00> : vector<2560xf32>
    %reduce_sum3A_33 = vector.multi_reduction <add>, %mul3A_31, %reduce_sum3A_32 [1] : vector<2560x64xf32> to vector<2560xf32>
    %broadcast_in_dim3A_34 = vector.shape_cast %reduce_sum3A_33 : vector<2560xf32> to vector<2560x1xf32>
    %add3A_35 = arith.addf %broadcast_in_dim3A_34, %broadcast_in_dim3A : vector<2560x1xf32>
    %slice3A_36 = vector.extract_strided_slice %get3A_1 {offsets = [0, 192], sizes = [2560, 64], strides = [1, 1]} : vector<2560x384xf32> to vector<2560x64xf32>
    %mul3A_37 = vector.broadcast %get3A_10 : vector<1x64xf32> to vector<2560x64xf32>
    %mul3A_38 = arith.mulf %slice3A_36, %mul3A_37 : vector<2560x64xf32>
    %reduce_sum3A_39 = arith.constant dense<0.000000e+00> : vector<2560xf32>
    %reduce_sum3A_40 = vector.multi_reduction <add>, %mul3A_38, %reduce_sum3A_39 [1] : vector<2560x64xf32> to vector<2560xf32>
    %broadcast_in_dim3A_41 = vector.shape_cast %reduce_sum3A_40 : vector<2560xf32> to vector<2560x1xf32>
    %add3A_42 = arith.addf %broadcast_in_dim3A_41, %broadcast_in_dim3A : vector<2560x1xf32>
    %concatenate3A = tpu.concatenate %add3A, %add3A_28, %add3A_35, %add3A_42 in 1 : vector<2560x1xf32>, vector<2560x1xf32>, vector<2560x1xf32>, vector<2560x1xf32> -> vector<2560x4xf32>
    %broadcast_in_dim3A_43 = vector.shape_cast %get3A_4 : vector<128x4xf32> to vector<128x1x4xf32>
    %broadcast_in_dim3A_44 = vector.shape_cast %broadcast_in_dim3A_43 : vector<128x1x4xf32> to vector<128x1x4xf32>
    %broadcast_in_dim3A_45 = vector.broadcast %broadcast_in_dim3A_44 : vector<128x1x4xf32> to vector<128x20x4xf32>
    %reshape3A = vector.shape_cast %broadcast_in_dim3A_45 : vector<128x20x4xf32> to vector<2560x4xf32>
    %add3A_46 = arith.addf %concatenate3A, %reshape3A : vector<2560x4xf32>
    %ge3A = arith.constant 0.000000e+00 : f32
    %ge3A_47 = vector.broadcast %ge3A : f32 to vector<2560x4xf32>
    %ge3A_48 = arith.cmpf oge, %add3A_46, %ge3A_47 : vector<2560x4xf32>
    %mul3A_49 = arith.constant 2.000000e-01 : f32
    %mul3A_50 = vector.broadcast %mul3A_49 : f32 to vector<2560x4xf32>
    %mul3A_51 = arith.mulf %mul3A_50, %add3A_46 : vector<2560x4xf32>
    %select_n3A = arith.select %ge3A_48, %add3A_46, %mul3A_51 : vector<2560x4xi1>, vector<2560x4xf32>
    %ne3A = arith.constant 0.000000e+00 : f32
    %ne3A_52 = vector.broadcast %ne3A : f32 to vector<2560x1xf32>
    %ne3A_53 = arith.cmpf one, %get3A_7, %ne3A_52 : vector<2560x1xf32>
    %jit3A = arith.constant 0xFF800000 : f32
    %broadcast_in_dim3A_54 = vector.shape_cast %ne3A_53 : vector<2560x1xi1> to vector<2560x1xi1>
    %broadcast_in_dim3A_55 = vector.broadcast %broadcast_in_dim3A_54 : vector<2560x1xi1> to vector<2560x4xi1>
    %broadcast_in_dim3A_56 = vector.broadcast %jit3A : f32 to vector<2560x4xf32>
    %select_n3A_57 = arith.select %broadcast_in_dim3A_55, %select_n3A, %broadcast_in_dim3A_56 : vector<2560x4xi1>, vector<2560x4xf32>
    %reshape3A_58 = vector.shape_cast %select_n3A_57 : vector<2560x4xf32> to vector<128x20x4xf32>
    %reduce_max3A = arith.constant dense<0xFF800000> : vector<128x4xf32>
    %reduce_max3A_59 = vector.multi_reduction <maximumf>, %reshape3A_58, %reduce_max3A [1] : vector<128x20x4xf32> to vector<128x4xf32>
    %broadcast_in_dim3A_60 = vector.shape_cast %reduce_max3A_59 : vector<128x4xf32> to vector<128x1x4xf32>
    %broadcast_in_dim3A_61 = vector.shape_cast %broadcast_in_dim3A_60 : vector<128x1x4xf32> to vector<128x1x4xf32>
    %broadcast_in_dim3A_62 = vector.broadcast %broadcast_in_dim3A_61 : vector<128x1x4xf32> to vector<128x20x4xf32>
    %reshape3A_63 = vector.shape_cast %broadcast_in_dim3A_62 : vector<128x20x4xf32> to vector<2560x4xf32>
    %sub3A = arith.subf %select_n3A_57, %reshape3A_63 : vector<2560x4xf32>
    %exp3A = math.exp %sub3A : vector<2560x4xf32>
    %reshape3A_64 = vector.shape_cast %exp3A : vector<2560x4xf32> to vector<128x20x4xf32>
    %reduce_sum3A_65 = arith.constant dense<0.000000e+00> : vector<128x4xf32>
    %reduce_sum3A_66 = vector.multi_reduction <add>, %reshape3A_64, %reduce_sum3A_65 [1] : vector<128x20x4xf32> to vector<128x4xf32>
    %broadcast_in_dim3A_67 = vector.shape_cast %reduce_sum3A_66 : vector<128x4xf32> to vector<128x1x4xf32>
    %broadcast_in_dim3A_68 = vector.shape_cast %broadcast_in_dim3A_67 : vector<128x1x4xf32> to vector<128x1x4xf32>
    %broadcast_in_dim3A_69 = vector.broadcast %broadcast_in_dim3A_68 : vector<128x1x4xf32> to vector<128x20x4xf32>
    %reshape3A_70 = vector.shape_cast %broadcast_in_dim3A_69 : vector<128x20x4xf32> to vector<2560x4xf32>
    %add3A_71 = arith.constant 1.000000e-16 : f32
    %add3A_72 = vector.broadcast %add3A_71 : f32 to vector<2560x4xf32>
    %add3A_73 = arith.addf %reshape3A_70, %add3A_72 : vector<2560x4xf32>
    %div3A = arith.divf %exp3A, %add3A_73 : vector<2560x4xf32>
    %get3A_74 = arith.constant 0 : index
    %get3A_75 = arith.constant 0 : index
    %get3A_76 = vector.load %arg6[%get3A_74, %get3A_75] : memref<1x64xf32, #tpu.memory_space<vmem>>, vector<1x64xf32>
    %slice3A_77 = vector.extract_strided_slice %get3A_1 {offsets = [0, 0], sizes = [2560, 64], strides = [1, 1]} : vector<2560x384xf32> to vector<2560x64xf32>
    %slice3A_78 = vector.extract_strided_slice %div3A {offsets = [0, 0], sizes = [2560, 1], strides = [1, 1]} : vector<2560x4xf32> to vector<2560x1xf32>
    %mul3A_79 = vector.broadcast %slice3A_78 : vector<2560x1xf32> to vector<2560x64xf32>
    %mul3A_80 = arith.mulf %mul3A_79, %slice3A_77 : vector<2560x64xf32>
    %reshape3A_81 = vector.shape_cast %mul3A_80 : vector<2560x64xf32> to vector<128x20x64xf32>
    %reduce_sum3A_82 = arith.constant dense<0.000000e+00> : vector<128x64xf32>
    %reduce_sum3A_83 = vector.multi_reduction <add>, %reshape3A_81, %reduce_sum3A_82 [1] : vector<128x20x64xf32> to vector<128x64xf32>
    %add3A_84 = vector.broadcast %get3A_76 : vector<1x64xf32> to vector<128x64xf32>
    %add3A_85 = arith.addf %reduce_sum3A_83, %add3A_84 : vector<128x64xf32>
    %swap3A = arith.constant 0 : index
    %swap3A_86 = arith.constant 0 : index
    %swap3A_87 = arith.constant 0 : index
    %swap3A_88 = vector.load %arg7[%swap3A, %swap3A_86, %swap3A_87] : memref<4x128x64xf32, #tpu.memory_space<vmem>>, vector<1x128x64xf32>
    %swap3A_89 = vector.shape_cast %swap3A_88 : vector<1x128x64xf32> to vector<128x64xf32>
    %swap3A_90 = vector.shape_cast %add3A_85 : vector<128x64xf32> to vector<1x128x64xf32>
    tpu.vector_store %arg7[%swap3A, %swap3A_86, %swap3A_87], %swap3A_90 {strides = array<i32>} : memref<4x128x64xf32, #tpu.memory_space<vmem>>, vector<1x128x64xf32>,
    %slice3A_91 = vector.extract_strided_slice %get3A_1 {offsets = [0, 64], sizes = [2560, 64], strides = [1, 1]} : vector<2560x384xf32> to vector<2560x64xf32>
    %slice3A_92 = vector.extract_strided_slice %div3A {offsets = [0, 1], sizes = [2560, 1], strides = [1, 1]} : vector<2560x4xf32> to vector<2560x1xf32>
    %mul3A_93 = vector.broadcast %slice3A_92 : vector<2560x1xf32> to vector<2560x64xf32>
    %mul3A_94 = arith.mulf %mul3A_93, %slice3A_91 : vector<2560x64xf32>
    %reshape3A_95 = vector.shape_cast %mul3A_94 : vector<2560x64xf32> to vector<128x20x64xf32>
    %reduce_sum3A_96 = arith.constant dense<0.000000e+00> : vector<128x64xf32>
    %reduce_sum3A_97 = vector.multi_reduction <add>, %reshape3A_95, %reduce_sum3A_96 [1] : vector<128x20x64xf32> to vector<128x64xf32>
    %add3A_98 = vector.broadcast %get3A_76 : vector<1x64xf32> to vector<128x64xf32>
    %add3A_99 = arith.addf %reduce_sum3A_97, %add3A_98 : vector<128x64xf32>
    %swap3A_100 = arith.constant 1 : index
    %swap3A_101 = arith.constant 0 : index
    %swap3A_102 = arith.constant 0 : index
    %swap3A_103 = vector.load %arg7[%swap3A_100, %swap3A_101, %swap3A_102] : memref<4x128x64xf32, #tpu.memory_space<vmem>>, vector<1x128x64xf32>
    %swap3A_104 = vector.shape_cast %swap3A_103 : vector<1x128x64xf32> to vector<128x64xf32>
    %swap3A_105 = vector.shape_cast %add3A_99 : vector<128x64xf32> to vector<1x128x64xf32>
    tpu.vector_store %arg7[%swap3A_100, %swap3A_101, %swap3A_102], %swap3A_105 {strides = array<i32>} : memref<4x128x64xf32, #tpu.memory_space<vmem>>, vector<1x128x64xf32>,
    %slice3A_106 = vector.extract_strided_slice %get3A_1 {offsets = [0, 128], sizes = [2560, 64], strides = [1, 1]} : vector<2560x384xf32> to vector<2560x64xf32>
    %slice3A_107 = vector.extract_strided_slice %div3A {offsets = [0, 2], sizes = [2560, 1], strides = [1, 1]} : vector<2560x4xf32> to vector<2560x1xf32>
    %mul3A_108 = vector.broadcast %slice3A_107 : vector<2560x1xf32> to vector<2560x64xf32>
    %mul3A_109 = arith.mulf %mul3A_108, %slice3A_106 : vector<2560x64xf32>
    %reshape3A_110 = vector.shape_cast %mul3A_109 : vector<2560x64xf32> to vector<128x20x64xf32>
    %reduce_sum3A_111 = arith.constant dense<0.000000e+00> : vector<128x64xf32>
    %reduce_sum3A_112 = vector.multi_reduction <add>, %reshape3A_110, %reduce_sum3A_111 [1] : vector<128x20x64xf32> to vector<128x64xf32>
    %add3A_113 = vector.broadcast %get3A_76 : vector<1x64xf32> to vector<128x64xf32>
    %add3A_114 = arith.addf %reduce_sum3A_112, %add3A_113 : vector<128x64xf32>
    %swap3A_115 = arith.constant 2 : index
    %swap3A_116 = arith.constant 0 : index
    %swap3A_117 = arith.constant 0 : index
    %swap3A_118 = vector.load %arg7[%swap3A_115, %swap3A_116, %swap3A_117] : memref<4x128x64xf32, #tpu.memory_space<vmem>>, vector<1x128x64xf32>
    %swap3A_119 = vector.shape_cast %swap3A_118 : vector<1x128x64xf32> to vector<128x64xf32>
    %swap3A_120 = vector.shape_cast %add3A_114 : vector<128x64xf32> to vector<1x128x64xf32>
    tpu.vector_store %arg7[%swap3A_115, %swap3A_116, %swap3A_117], %swap3A_120 {strides = array<i32>} : memref<4x128x64xf32, #tpu.memory_space<vmem>>, vector<1x128x64xf32>,
    %slice3A_121 = vector.extract_strided_slice %get3A_1 {offsets = [0, 192], sizes = [2560, 64], strides = [1, 1]} : vector<2560x384xf32> to vector<2560x64xf32>
    %slice3A_122 = vector.extract_strided_slice %div3A {offsets = [0, 3], sizes = [2560, 1], strides = [1, 1]} : vector<2560x4xf32> to vector<2560x1xf32>
    %mul3A_123 = vector.broadcast %slice3A_122 : vector<2560x1xf32> to vector<2560x64xf32>
    %mul3A_124 = arith.mulf %mul3A_123, %slice3A_121 : vector<2560x64xf32>
    %reshape3A_125 = vector.shape_cast %mul3A_124 : vector<2560x64xf32> to vector<128x20x64xf32>
    %reduce_sum3A_126 = arith.constant dense<0.000000e+00> : vector<128x64xf32>
    %reduce_sum3A_127 = vector.multi_reduction <add>, %reshape3A_125, %reduce_sum3A_126 [1] : vector<128x20x64xf32> to vector<128x64xf32>
    %add3A_128 = vector.broadcast %get3A_76 : vector<1x64xf32> to vector<128x64xf32>
    %add3A_129 = arith.addf %reduce_sum3A_127, %add3A_128 : vector<128x64xf32>
    %swap3A_130 = arith.constant 3 : index
    %swap3A_131 = arith.constant 0 : index
    %swap3A_132 = arith.constant 0 : index
    %swap3A_133 = vector.load %arg7[%swap3A_130, %swap3A_131, %swap3A_132] : memref<4x128x64xf32, #tpu.memory_space<vmem>>, vector<1x128x64xf32>
    %swap3A_134 = vector.shape_cast %swap3A_133 : vector<1x128x64xf32> to vector<128x64xf32>
    %swap3A_135 = vector.shape_cast %add3A_129 : vector<128x64xf32> to vector<1x128x64xf32>
    tpu.vector_store %arg7[%swap3A_130, %swap3A_131, %swap3A_132], %swap3A_135 {strides = array<i32>} : memref<4x128x64xf32, #tpu.memory_space<vmem>>, vector<1x128x64xf32>,
    return
  }
  func.func @transform_0(%arg0: i32) -> (i32, i32) {
    %c0_i32 = arith.constant 0 : i32
    %c0_i32_0 = arith.constant 0 : i32
    return %arg0, %c0_i32 : i32, i32
  }
  func.func @transform_1(%arg0: i32) -> (i32, i32) {
    %c0_i32 = arith.constant 0 : i32
    %c0_i32_0 = arith.constant 0 : i32
    return %arg0, %c0_i32 : i32, i32
  }
  func.func @transform_2(%arg0: i32) -> (i32, i32) {
    %c0_i32 = arith.constant 0 : i32
    %c0_i32_0 = arith.constant 0 : i32
    return %arg0, %c0_i32 : i32, i32
  }
  func.func @transform_3(%arg0: i32) -> (i32, i32) {
    %c0_i32 = arith.constant 0 : i32
    %c0_i32_0 = arith.constant 0 : i32
    %c0_i32_1 = arith.constant 0 : i32
    return %c0_i32, %c0_i32_0 : i32, i32
  }
  func.func @transform_4(%arg0: i32) -> (i32, i32) {
    %c0_i32 = arith.constant 0 : i32
    %c0_i32_0 = arith.constant 0 : i32
    %c0_i32_1 = arith.constant 0 : i32
    return %c0_i32, %c0_i32_0 : i32, i32
  }
  func.func @transform_5(%arg0: i32) -> (i32, i32) {
    %c0_i32 = arith.constant 0 : i32
    %c0_i32_0 = arith.constant 0 : i32
    %c0_i32_1 = arith.constant 0 : i32
    return %c0_i32, %c0_i32_0 : i32, i32
  }
  func.func @transform_6(%arg0: i32) -> (i32, i32, i32) {
    %c0_i32 = arith.constant 0 : i32
    %c0_i32_0 = arith.constant 0 : i32
    %c0_i32_1 = arith.constant 0 : i32
    return %c0_i32, %arg0, %c0_i32_0 : i32, i32, i32
  }
}

module attributes {stable_mosaic.version = 14 : i64} {
  func.func @_stats_body(%arg0: i32, %arg1: memref<4x2000x64xf32, #tpu.memory_space<vmem>>, %arg2: memref<2000x64xf32, #tpu.memory_space<vmem>>, %arg3: memref<8x64xf32, #tpu.memory_space<vmem>>) attributes {dimension_semantics = [#tpu.dimension_semantics<arbitrary>], iteration_bounds = array<i64: 5>, scalar_prefetch = 0 : i64, scratch_operands = 0 : i64, tpu.core_type = #tpu.core_type<tc>, window_params = [{transform_indices = @transform_0, window_bounds = array<i64: 4, 2000, 64>}, {transform_indices = @transform_1, window_bounds = array<i64: 2000, 64>}, {pipeline_mode = #tpu.pipeline_mode<synchronous>, transform_indices = @transform_2, window_bounds = array<i64: 8, 64>}]} {
    %get3A = arith.constant 0 : index
    %get3A_0 = arith.constant 0 : index
    %get3A_1 = arith.constant 0 : index
    %get3A_2 = vector.load %arg1[%get3A, %get3A_0, %get3A_1] : memref<4x2000x64xf32, #tpu.memory_space<vmem>>, vector<4x2000x64xf32>
    %get3A_3 = arith.constant 0 : index
    %get3A_4 = arith.constant 0 : index
    %get3A_5 = vector.load %arg2[%get3A_3, %get3A_4] : memref<2000x64xf32, #tpu.memory_space<vmem>>, vector<2000x64xf32>
    %reduce_sum3A = arith.constant dense<0.000000e+00> : vector<2000x64xf32>
    %reduce_sum3A_6 = vector.multi_reduction <add>, %get3A_2, %reduce_sum3A [0] : vector<4x2000x64xf32> to vector<2000x64xf32>
    %mul3A = arith.mulf %get3A_2, %get3A_2 : vector<4x2000x64xf32>
    %reduce_sum3A_7 = arith.constant dense<0.000000e+00> : vector<2000x64xf32>
    %reduce_sum3A_8 = vector.multi_reduction <add>, %mul3A, %reduce_sum3A_7 [0] : vector<4x2000x64xf32> to vector<2000x64xf32>
    %mul3A_9 = arith.mulf %get3A_5, %get3A_5 : vector<2000x64xf32>
    %reduce_sum3A_10 = arith.constant dense<0.000000e+00> : vector<64xf32>
    %reduce_sum3A_11 = vector.multi_reduction <add>, %reduce_sum3A_6, %reduce_sum3A_10 [0] : vector<2000x64xf32> to vector<64xf32>
    %reduce_sum3A_12 = arith.constant dense<0.000000e+00> : vector<64xf32>
    %reduce_sum3A_13 = vector.multi_reduction <add>, %reduce_sum3A_8, %reduce_sum3A_12 [0] : vector<2000x64xf32> to vector<64xf32>
    %mul3A_14 = arith.mulf %reduce_sum3A_6, %get3A_5 : vector<2000x64xf32>
    %reduce_sum3A_15 = arith.constant dense<0.000000e+00> : vector<64xf32>
    %reduce_sum3A_16 = vector.multi_reduction <add>, %mul3A_14, %reduce_sum3A_15 [0] : vector<2000x64xf32> to vector<64xf32>
    %mul3A_17 = arith.mulf %reduce_sum3A_6, %mul3A_9 : vector<2000x64xf32>
    %reduce_sum3A_18 = arith.constant dense<0.000000e+00> : vector<64xf32>
    %reduce_sum3A_19 = vector.multi_reduction <add>, %mul3A_17, %reduce_sum3A_18 [0] : vector<2000x64xf32> to vector<64xf32>
    %mul3A_20 = arith.mulf %reduce_sum3A_8, %mul3A_9 : vector<2000x64xf32>
    %reduce_sum3A_21 = arith.constant dense<0.000000e+00> : vector<64xf32>
    %reduce_sum3A_22 = vector.multi_reduction <add>, %mul3A_20, %reduce_sum3A_21 [0] : vector<2000x64xf32> to vector<64xf32>
    %reduce_sum3A_23 = arith.constant dense<0.000000e+00> : vector<64xf32>
    %reduce_sum3A_24 = vector.multi_reduction <add>, %get3A_5, %reduce_sum3A_23 [0] : vector<2000x64xf32> to vector<64xf32>
    %reduce_sum3A_25 = arith.constant dense<0.000000e+00> : vector<64xf32>
    %reduce_sum3A_26 = vector.multi_reduction <add>, %mul3A_9, %reduce_sum3A_25 [0] : vector<2000x64xf32> to vector<64xf32>
    %broadcast_in_dim3A = arith.constant 0.000000e+00 : f32
    %broadcast_in_dim3A_27 = vector.broadcast %broadcast_in_dim3A : f32 to vector<64xf32>
    %broadcast_in_dim3A_28 = vector.shape_cast %reduce_sum3A_11 : vector<64xf32> to vector<1x64xf32>
    %broadcast_in_dim3A_29 = vector.shape_cast %reduce_sum3A_13 : vector<64xf32> to vector<1x64xf32>
    %broadcast_in_dim3A_30 = vector.shape_cast %reduce_sum3A_16 : vector<64xf32> to vector<1x64xf32>
    %broadcast_in_dim3A_31 = vector.shape_cast %reduce_sum3A_19 : vector<64xf32> to vector<1x64xf32>
    %broadcast_in_dim3A_32 = vector.shape_cast %reduce_sum3A_22 : vector<64xf32> to vector<1x64xf32>
    %broadcast_in_dim3A_33 = vector.shape_cast %reduce_sum3A_24 : vector<64xf32> to vector<1x64xf32>
    %broadcast_in_dim3A_34 = vector.shape_cast %reduce_sum3A_26 : vector<64xf32> to vector<1x64xf32>
    %broadcast_in_dim3A_35 = vector.shape_cast %broadcast_in_dim3A_27 : vector<64xf32> to vector<1x64xf32>
    %concatenate3A = tpu.concatenate %broadcast_in_dim3A_28, %broadcast_in_dim3A_29, %broadcast_in_dim3A_30, %broadcast_in_dim3A_31, %broadcast_in_dim3A_32, %broadcast_in_dim3A_33, %broadcast_in_dim3A_34, %broadcast_in_dim3A_35 in 0 : vector<1x64xf32>, vector<1x64xf32>, vector<1x64xf32>, vector<1x64xf32>, vector<1x64xf32>, vector<1x64xf32>, vector<1x64xf32>, vector<1x64xf32> -> vector<8x64xf32>
    %eq3A = arith.constant 0 : i32
    %eq3A_36 = arith.cmpi eq, %arg0, %eq3A : i32
    %convert_element_type3A = arith.extui %eq3A_36 : i1 to i32
    %cond3A = arith.constant 0 : i32
    %cond3A_37 = arith.cmpi ne, %convert_element_type3A, %cond3A : i32
    scf.if %cond3A_37 {
      %broadcast_in_dim3A_43 = arith.constant 0.000000e+00 : f32
      %broadcast_in_dim3A_44 = vector.broadcast %broadcast_in_dim3A_43 : f32 to vector<8x64xf32>
      %swap3A_45 = arith.constant 0 : index
      %swap3A_46 = arith.constant 0 : index
      %swap3A_47 = vector.load %arg3[%swap3A_45, %swap3A_46] : memref<8x64xf32, #tpu.memory_space<vmem>>, vector<8x64xf32>
      tpu.vector_store %arg3[%swap3A_45, %swap3A_46], %broadcast_in_dim3A_44 {strides = array<i32>} : memref<8x64xf32, #tpu.memory_space<vmem>>, vector<8x64xf32>,
    } else {
    }
    %get3A_38 = arith.constant 0 : index
    %get3A_39 = arith.constant 0 : index
    %get3A_40 = vector.load %arg3[%get3A_38, %get3A_39] : memref<8x64xf32, #tpu.memory_space<vmem>>, vector<8x64xf32>
    %add3A = arith.addf %get3A_40, %concatenate3A : vector<8x64xf32>
    %swap3A = arith.constant 0 : index
    %swap3A_41 = arith.constant 0 : index
    %swap3A_42 = vector.load %arg3[%swap3A, %swap3A_41] : memref<8x64xf32, #tpu.memory_space<vmem>>, vector<8x64xf32>
    tpu.vector_store %arg3[%swap3A, %swap3A_41], %add3A {strides = array<i32>} : memref<8x64xf32, #tpu.memory_space<vmem>>, vector<8x64xf32>,
    return
  }
  func.func @transform_0(%arg0: i32) -> (i32, i32, i32) {
    %c0_i32 = arith.constant 0 : i32
    %c0_i32_0 = arith.constant 0 : i32
    %c0_i32_1 = arith.constant 0 : i32
    return %c0_i32, %arg0, %c0_i32_0 : i32, i32, i32
  }
  func.func @transform_1(%arg0: i32) -> (i32, i32) {
    %c0_i32 = arith.constant 0 : i32
    %c0_i32_0 = arith.constant 0 : i32
    return %arg0, %c0_i32 : i32, i32
  }
  func.func @transform_2(%arg0: i32) -> (i32, i32) {
    %c0_i32 = arith.constant 0 : i32
    %c0_i32_0 = arith.constant 0 : i32
    %c0_i32_1 = arith.constant 0 : i32
    return %c0_i32, %c0_i32_0 : i32, i32
  }
}

module attributes {stable_mosaic.version = 14 : i64} {
  func.func @_final_body(%arg0: i32, %arg1: memref<4x2048x64xf32, #tpu.memory_space<vmem>>, %arg2: memref<2048x64xf32, #tpu.memory_space<vmem>>, %arg3: memref<1x64xf32, #tpu.memory_space<vmem>>, %arg4: memref<1x64xf32, #tpu.memory_space<vmem>>, %arg5: memref<1x64xf32, #tpu.memory_space<vmem>>, %arg6: memref<1x64xf32, #tpu.memory_space<vmem>>, %arg7: memref<1x64xf32, #tpu.memory_space<vmem>>, %arg8: memref<1xf32, #tpu.memory_space<smem>>, %arg9: memref<4x2048x64xf32, #tpu.memory_space<vmem>>, %arg10: memref<4x2048xf32, #tpu.memory_space<vmem>>) attributes {dimension_semantics = [#tpu.dimension_semantics<arbitrary>], iteration_bounds = array<i64: 5>, scalar_prefetch = 0 : i64, scratch_operands = 0 : i64, tpu.core_type = #tpu.core_type<tc>, window_params = [{transform_indices = @transform_0, window_bounds = array<i64: 4, 2048, 64>}, {transform_indices = @transform_1, window_bounds = array<i64: 2048, 64>}, {pipeline_mode = #tpu.pipeline_mode<synchronous>, transform_indices = @transform_2, window_bounds = array<i64: 1, 64>}, {pipeline_mode = #tpu.pipeline_mode<synchronous>, transform_indices = @transform_3, window_bounds = array<i64: 1, 64>}, {pipeline_mode = #tpu.pipeline_mode<synchronous>, transform_indices = @transform_4, window_bounds = array<i64: 1, 64>}, {pipeline_mode = #tpu.pipeline_mode<synchronous>, transform_indices = @transform_5, window_bounds = array<i64: 1, 64>}, {pipeline_mode = #tpu.pipeline_mode<synchronous>, transform_indices = @transform_6, window_bounds = array<i64: 1, 64>}, {transform_indices = @transform_7, window_bounds = array<i64: 1>}, {transform_indices = @transform_8, window_bounds = array<i64: 4, 2048, 64>}, {transform_indices = @transform_9, window_bounds = array<i64: 4, 2048>}]} {
    %get3A = arith.constant 0 : index
    %get3A_0 = arith.constant 0 : index
    %get3A_1 = arith.constant 0 : index
    %get3A_2 = vector.load %arg1[%get3A, %get3A_0, %get3A_1] : memref<4x2048x64xf32, #tpu.memory_space<vmem>>, vector<4x2048x64xf32>
    %get3A_3 = arith.constant 0 : index
    %get3A_4 = arith.constant 0 : index
    %get3A_5 = vector.load %arg2[%get3A_3, %get3A_4] : memref<2048x64xf32, #tpu.memory_space<vmem>>, vector<2048x64xf32>
    %get3A_6 = arith.constant 0 : index
    %get3A_7 = arith.constant 0 : index
    %get3A_8 = vector.load %arg3[%get3A_6, %get3A_7] : memref<1x64xf32, #tpu.memory_space<vmem>>, vector<1x64xf32>
    %broadcast_in_dim3A = vector.shape_cast %get3A_8 : vector<1x64xf32> to vector<1x1x64xf32>
    %mul3A = vector.broadcast %broadcast_in_dim3A : vector<1x1x64xf32> to vector<4x2048x64xf32>
    %mul3A_9 = arith.mulf %get3A_2, %mul3A : vector<4x2048x64xf32>
    %get3A_10 = arith.constant 0 : index
    %get3A_11 = arith.constant 0 : index
    %get3A_12 = vector.load %arg4[%get3A_10, %get3A_11] : memref<1x64xf32, #tpu.memory_space<vmem>>, vector<1x64xf32>
    %broadcast_in_dim3A_13 = vector.shape_cast %get3A_12 : vector<1x64xf32> to vector<1x1x64xf32>
    %add3A = vector.broadcast %broadcast_in_dim3A_13 : vector<1x1x64xf32> to vector<4x2048x64xf32>
    %add3A_14 = arith.addf %mul3A_9, %add3A : vector<4x2048x64xf32>
    %broadcast_in_dim3A_15 = vector.shape_cast %get3A_5 : vector<2048x64xf32> to vector<1x2048x64xf32>
    %mul3A_16 = vector.broadcast %broadcast_in_dim3A_15 : vector<1x2048x64xf32> to vector<4x2048x64xf32>
    %mul3A_17 = arith.mulf %add3A_14, %mul3A_16 : vector<4x2048x64xf32>
    %get3A_18 = arith.constant 0 : index
    %get3A_19 = arith.constant 0 : index
    %get3A_20 = vector.load %arg5[%get3A_18, %get3A_19] : memref<1x64xf32, #tpu.memory_space<vmem>>, vector<1x64xf32>
    %broadcast_in_dim3A_21 = vector.shape_cast %get3A_20 : vector<1x64xf32> to vector<1x1x64xf32>
    %mul3A_22 = vector.broadcast %broadcast_in_dim3A_21 : vector<1x1x64xf32> to vector<4x2048x64xf32>
    %mul3A_23 = arith.mulf %mul3A_17, %mul3A_22 : vector<4x2048x64xf32>
    %get3A_24 = arith.constant 0 : index
    %get3A_25 = arith.constant 0 : index
    %get3A_26 = vector.load %arg6[%get3A_24, %get3A_25] : memref<1x64xf32, #tpu.memory_space<vmem>>, vector<1x64xf32>
    %broadcast_in_dim3A_27 = vector.shape_cast %get3A_26 : vector<1x64xf32> to vector<1x1x64xf32>
    %add3A_28 = vector.broadcast %broadcast_in_dim3A_27 : vector<1x1x64xf32> to vector<4x2048x64xf32>
    %add3A_29 = arith.addf %mul3A_23, %add3A_28 : vector<4x2048x64xf32>
    %max3A = arith.constant 0.000000e+00 : f32
    %max3A_30 = vector.broadcast %max3A : f32 to vector<4x2048x64xf32>
    %max3A_31 = arith.maximumf %add3A_29, %max3A_30 : vector<4x2048x64xf32>
    %swap3A = arith.constant 0 : index
    %swap3A_32 = arith.constant 0 : index
    %swap3A_33 = arith.constant 0 : index
    %swap3A_34 = vector.load %arg9[%swap3A, %swap3A_32, %swap3A_33] : memref<4x2048x64xf32, #tpu.memory_space<vmem>>, vector<4x2048x64xf32>
    tpu.vector_store %arg9[%swap3A, %swap3A_32, %swap3A_33], %max3A_31 {strides = array<i32>} : memref<4x2048x64xf32, #tpu.memory_space<vmem>>, vector<4x2048x64xf32>,
    %get3A_35 = arith.constant 0 : index
    %get3A_36 = arith.constant 0 : index
    %get3A_37 = vector.load %arg7[%get3A_35, %get3A_36] : memref<1x64xf32, #tpu.memory_space<vmem>>, vector<1x64xf32>
    %broadcast_in_dim3A_38 = vector.shape_cast %get3A_37 : vector<1x64xf32> to vector<1x1x64xf32>
    %mul3A_39 = vector.broadcast %broadcast_in_dim3A_38 : vector<1x1x64xf32> to vector<4x2048x64xf32>
    %mul3A_40 = arith.mulf %max3A_31, %mul3A_39 : vector<4x2048x64xf32>
    %reduce_sum3A = arith.constant dense<0.000000e+00> : vector<4x2048xf32>
    %reduce_sum3A_41 = vector.multi_reduction <add>, %mul3A_40, %reduce_sum3A [2] : vector<4x2048x64xf32> to vector<4x2048xf32>
    %get3A_42 = arith.constant 0 : index
    %get3A_43 = memref.load %arg8[%get3A_42] : memref<1xf32, #tpu.memory_space<smem>>
    %add3A_44 = vector.broadcast %get3A_43 : f32 to vector<4x2048xf32>
    %add3A_45 = arith.addf %reduce_sum3A_41, %add3A_44 : vector<4x2048xf32>
    %swap3A_46 = arith.constant 0 : index
    %swap3A_47 = arith.constant 0 : index
    %swap3A_48 = vector.load %arg10[%swap3A_46, %swap3A_47] : memref<4x2048xf32, #tpu.memory_space<vmem>>, vector<4x2048xf32>
    tpu.vector_store %arg10[%swap3A_46, %swap3A_47], %add3A_45 {strides = array<i32>} : memref<4x2048xf32, #tpu.memory_space<vmem>>, vector<4x2048xf32>,
    return
  }
  func.func @transform_0(%arg0: i32) -> (i32, i32, i32) {
    %c0_i32 = arith.constant 0 : i32
    %c0_i32_0 = arith.constant 0 : i32
    %c0_i32_1 = arith.constant 0 : i32
    return %c0_i32, %arg0, %c0_i32_0 : i32, i32, i32
  }
  func.func @transform_1(%arg0: i32) -> (i32, i32) {
    %c0_i32 = arith.constant 0 : i32
    %c0_i32_0 = arith.constant 0 : i32
    return %arg0, %c0_i32 : i32, i32
  }
  func.func @transform_2(%arg0: i32) -> (i32, i32) {
    %c0_i32 = arith.constant 0 : i32
    %c0_i32_0 = arith.constant 0 : i32
    %c0_i32_1 = arith.constant 0 : i32
    return %c0_i32, %c0_i32_0 : i32, i32
  }
  func.func @transform_3(%arg0: i32) -> (i32, i32) {
    %c0_i32 = arith.constant 0 : i32
    %c0_i32_0 = arith.constant 0 : i32
    %c0_i32_1 = arith.constant 0 : i32
    return %c0_i32, %c0_i32_0 : i32, i32
  }
  func.func @transform_4(%arg0: i32) -> (i32, i32) {
    %c0_i32 = arith.constant 0 : i32
    %c0_i32_0 = arith.constant 0 : i32
    %c0_i32_1 = arith.constant 0 : i32
    return %c0_i32, %c0_i32_0 : i32, i32
  }
  func.func @transform_5(%arg0: i32) -> (i32, i32) {
    %c0_i32 = arith.constant 0 : i32
    %c0_i32_0 = arith.constant 0 : i32
    %c0_i32_1 = arith.constant 0 : i32
    return %c0_i32, %c0_i32_0 : i32, i32
  }
  func.func @transform_6(%arg0: i32) -> (i32, i32) {
    %c0_i32 = arith.constant 0 : i32
    %c0_i32_0 = arith.constant 0 : i32
    %c0_i32_1 = arith.constant 0 : i32
    return %c0_i32, %c0_i32_0 : i32, i32
  }
  func.func @transform_7(%arg0: i32) -> i32 {
    %c0_i32 = arith.constant 0 : i32
    %c0_i32_0 = arith.constant 0 : i32
    return %c0_i32 : i32
  }
  func.func @transform_8(%arg0: i32) -> (i32, i32, i32) {
    %c0_i32 = arith.constant 0 : i32
    %c0_i32_0 = arith.constant 0 : i32
    %c0_i32_1 = arith.constant 0 : i32
    return %c0_i32, %arg0, %c0_i32_0 : i32, i32, i32
  }
  func.func @transform_9(%arg0: i32) -> (i32, i32) {
    %c0_i32 = arith.constant 0 : i32
    %c0_i32_0 = arith.constant 0 : i32
    return %c0_i32, %arg0 : i32, i32
  }
}

</mosaic_0001>

<sc_bundles>
// kernel: kernel.8.cloned.1.call-start
scs
__scs_entry_jumppad:
0x0: {  	(pc) =	sbr.rel $0x88, $3  }
0x1: {  	(tag) =	ssettag $0x0;
	lr =	simm.s32 $0x1  }
0x2: {  	[smem:$0x3F93] =	sst lr;
	_ =	strace $0xD0000000  }
0x3: {  	_ = 	snop  }
0x4: {  	_ = 	snop  }
0x5: {  	_ = 	snop  }
0x6: {  	_ = 	snop  }
0x7: {  	_ = 	snop  }
__scs_overlays_trampoline_lowered:
0x8: {  	[smem:$0x3FA2] =	sst s0  }
0x9: {  	[smem:$0x3FA3] =	sst s1  }
0xa: {  	[smem:$0x3FA4] =	sst s2  }
0xb: {  	[smem:$0x3FA5] =	sst s3  }
0xc: {  	[smem:$0x3FA6] =	sst s4  }
0xd: {  	[smem:$0x3FA7] =	sst s5  }
0xe: {  	[smem:$0x3FA8] =	sst s6  }
0xf: {  	[smem:$0x3FA9] =	sst s7  }
0x10: {  	[smem:$0x3FAA] =	sst s8  }
0x11: {  	[smem:$0x3FAB] =	sst s9;
	s0 =	simm.s32 @!p0 $0x0  }
0x12: {  	s1 =	sld [smem:$0x3F91];
	s0 =	simm.s32 @p0 $0x1  }
0x13: {  	[smem:$0x3FAC] =	sst s0;
	s0 =	simm.s32 @!p1 $0x0  }
0x14: {  	s2 =	sld [smem:$0x3F90];
	s0 =	simm.s32 @p1 $0x1  }
0x15: {  	[smem:$0x3FAD] =	sst s0;
	s0 =	simm.s32 @!p2 $0x0  }
0x16: {  	s3 =	sld [smem:$0x3FDB];
	s0 =	simm.s32 @p2 $0x1  }
0x17: {  	s4 =	simm.s32 $0x1BF5;
	[smem:$0x3FAF] =	sst s0  }
0x18: {  	s0 =	sld [smem:$0x3F92];
	_ =	swait.ge [sflag:s4], $0x0  }
0x19: {  	s7 =	sld [smem:$0x3F93]  }
0x1a: {  	s8 =	sadd.s32 $0xFFFFE003, lr  }
0x1b: {  	s9 =	sadd.s32 $0xFFFFFEF7, lr;
	s5 =	simm.s32 $0xFFFFFFFF;
	p2 =	slt.u32 s8, $0xFFFFF086  }
0x1c: {  	p1 =	slt.u32 s9, $0xF7A;
	s5 =	simm.s32 @!p2 $0x0  }
0x1d: {  	s5 =	simm.s32 @p1 $0x1;
	p0 =	seq.s32 s7, s2  }
0x1e: {  	s7 =	smul.u32 @!p0 $0xF7A, s2;
	p2 =	seq.s32 @!p0 s5, $0x0  }
0x1f: {  	s9 =	smul.u32 $0xF7A, s1;
	s8 =	simm.s32 @!p0 $0x1BF5;
	p2 =	por !p2, p0  }
0x20: {  	[sflag:s8] =	ssyncset.s32 @!p0 $0xFFFFF086;
	s6 =	sadd.s32 @!p0 s3, s7;
	s7 =	simm.s32 @!p0 $0x108  }
0x21: {  	s3 =	sadd.s32 s3, s9;
	s6 =	sadd.s32 @!p0 $0x88, s6;
	s7 =	simm.s32 @p2 $0x1082  }
0x22: {  	[simem:s7], [sflag:s8] =	dma.local @!p0 [hbm:s6], $0xF7A  }
0x23: {  	s9 =	sor.u32 $0xD0000000, s2;
	s6 =	simm.s32 $0x108;
	_ =	swait.ge @!p0 [sflag:s8], $0x0  }
0x24: {  	s3 =	sadd.s32 $0x88, s3;
	s6 =	simm.s32 @!p1 $0x1082;
	[sflag:s4] =	ssyncset.s32 $0xFFFFF086  }
0x25: {  	[simem:s6], [sflag:s4] =	dma.local [hbm:s3], $0xF7A  }
0x26: {  	[smem:$0x3F93] =	sst s1;
	(tag) =	ssettag s2;
	_ =	strace s9  }
0x27: {  	s1 =	sld [smem:$0x3FA3]  }
0x28: {  	s2 =	sld [smem:$0x3FA4]  }
0x29: {  	s4 =	sld [smem:$0x3FA6]  }
0x2a: {  	p0 =	seq.s32 s5, $0x0;
	s5 =	sld [smem:$0x3FA7]  }
0x2b: {  	s6 =	sld [smem:$0x3FA8]  }
0x2c: {  	s7 =	sld [smem:$0x3FA9]  }
0x2d: {  	s3 =	simm.s32 $0x108;
	s8 =	sld [smem:$0x3FAA]  }
0x2e: {  	s3 =	simm.s32 @!p0 $0x1082;
	s9 =	sld [smem:$0x3FAB]  }
0x2f: {  	lr =	sadd.s32 s0, s3;
	s0 =	sld [smem:$0x3FA2]  }
0x30: {  	s3 =	sld [smem:$0x3FA5]  }
0x31: {  	[smem:$0x3FAE] =	sst s10  }
0x32: {  	s10 =	sld [smem:$0x3FAC];
	_ =	sdelay $0x3  }
0x33: {  	p0 =	seq.s32 s10, $0x1;
	s10 =	sld [smem:$0x3FAE];
	_ =	sdelay $0x3  }
0x34: {  	[smem:$0x3FAE] =	sst s10  }
0x35: {  	s10 =	sld [smem:$0x3FAD];
	_ =	sdelay $0x3  }
0x36: {  	p1 =	seq.s32 s10, $0x1;
	s10 =	sld [smem:$0x3FAE];
	_ =	sdelay $0x3  }
0x37: {  	[smem:$0x3FAE] =	sst s10  }
0x38: {  	s10 =	sld [smem:$0x3FAF]  }
0x39: {  	_ = 	snop;
	(pc) =	sbr.ind lr, $3  }
0x3a: {  	_ = 	snop  }
0x3b: {  	_ = 	snop  }
0x3c: {  	p2 =	seq.s32 s10, $0x1;
	s10 =	sld [smem:$0x3FAE]  }
0x3d: {  	_ =	shalt  }
0x3e: {  	_ =	shalt  }
0x3f: {  	_ =	shalt  }
0x40: {  	_ =	shalt  }
0x41: {  	_ =	shalt  }
0x42: {  	_ =	shalt  }
0x43: {  	_ =	shalt  }
0x44: {  	_ =	shalt  }
0x45: {  	_ =	shalt  }
0x46: {  	_ =	shalt  }
0x47: {  	_ =	shalt  }
0x48: {  	_ =	shalt  }
0x49: {  	_ =	shalt  }
0x4a: {  	_ =	shalt  }
0x4b: {  	_ =	shalt  }
0x4c: {  	_ =	shalt  }
0x4d: {  	_ =	shalt  }
0x4e: {  	_ =	shalt  }
0x4f: {  	_ =	shalt  }
0x50: {  	_ =	shalt  }
0x51: {  	_ =	shalt  }
0x52: {  	_ =	shalt  }
0x53: {  	_ =	shalt  }
0x54: {  	_ =	shalt  }
0x55: {  	_ =	shalt  }
0x56: {  	_ =	shalt  }
0x57: {  	_ =	shalt  }
0x58: {  	_ =	shalt  }
0x59: {  	_ =	shalt  }
0x5a: {  	_ =	shalt  }
0x5b: {  	_ =	shalt  }
0x5c: {  	_ =	shalt  }
0x5d: {  	_ =	shalt  }
0x5e: {  	_ =	shalt  }
0x5f: {  	_ =	shalt  }
0x60: {  	_ =	shalt  }
0x61: {  	_ =	shalt  }
0x62: {  	_ =	shalt  }
0x63: {  	_ =	shalt  }
0x64: {  	_ =	shalt  }
0x65: {  	_ =	shalt  }
0x66: {  	_ =	shalt  }
0x67: {  	_ =	shalt  }
0x68: {  	_ =	shalt  }
0x69: {  	_ =	shalt  }
0x6a: {  	_ =	shalt  }
0x6b: {  	_ =	shalt  }
0x6c: {  	_ =	shalt  }
0x6d: {  	_ =	shalt  }
0x6e: {  	_ =	shalt  }
0x6f: {  	_ =	shalt  }
0x70: {  	_ =	shalt  }
0x71: {  	_ =	shalt  }
0x72: {  	_ =	shalt  }
0x73: {  	_ =	shalt  }
0x74: {  	_ =	shalt  }
0x75: {  	_ =	shalt  }
0x76: {  	_ =	shalt  }
0x77: {  	_ =	shalt  }
0x78: {  	_ =	shalt  }
0x79: {  	_ =	shalt  }
0x7a: {  	_ =	shalt  }
0x7b: {  	_ =	shalt  }
0x7c: {  	_ =	shalt  }
0x7d: {  	_ =	shalt  }
0x7e: {  	_ =	shalt  }
0x7f: {  	_ =	shalt  }
0x80: {  	_ =	shalt  }
0x81: {  	_ =	shalt  }
0x82: {  	_ =	shalt  }
0x83: {  	_ =	shalt  }
0x84: {  	_ =	shalt  }
0x85: {  	_ =	shalt  }
0x86: {  	_ =	shalt  }
0x87: {  	_ =	shalt  }
.Lfunc_end0:
.L_simem_size_0:
called_computation_lowered:
.L_overlay_start_0:
0x88: {  	s2 =	sld [smem:$0x3FD9]  }
0x89: {  	s3 =	sld [smem:$0x3FFE];
	_ =	sdelay $0x1  }
0x8a: {  	s1 =	srdreg.scid  }
0x8b: {  	s0 =	sand.u32 $0x1, s1  }
0x8c: {  	s16 =	sshll.u32 s0, $0xA;
	s2 =	sadd.s32 s3, s2  }
0x8d: {  	s2 =	sadd.s32 s2, s16  }
0x8e: {  	[smem:$0x3FBA] =	sst s2  }
0x8f: {  	_ = 	snop  }
0x90: {  	(tm) =	ssettm $0x1  }
0x91: {  	s17 =	sld [smem:$0x3FFB];
	_ =	sdelay $0x3  }
0x92: {  	_ =	strace s17  }
0x93: {  	s2 =	sld [smem:$0x3FFC];
	_ =	sdelay $0x3  }
0x94: {  	_ =	strace s2  }
0x95: {  	s2 =	sld [smem:$0x3FFD];
	_ =	sdelay $0x3  }
0x96: {  	_ =	strace s2  }
0x97: {  	_ =	strace $0x8FFFFFFF  }
0x98: {  	s18 =	sld [smem:$0x3FDB];
	_ =	sdelay $0x1  }
0x99: {  	s19 =	simm.s32 $_scs_section_size  }
0x9a: {  	s4 =	simm.s32 $_size__tile_overlayer_lowered;
	s5 =	simm.s32 $_tile_overlayer_lowered  }
0x9b: {  	s22 =	simm.s32 $0x1BFF;
	s21 =	sshll.u32 s5, $0x1;
	s2 =	sadd.s32 s19, s18  }
0x9c: {  	s6 =	simm.s32 $0x0;
	s20 =	sshll.u32 s4, $0x1;
	s4 =	sadd.s32 s21, s2  }
0x9d: {  	[timem:s6], [sflag:s22] =	dma.local [hbm:s4], s20  }
0x9e: {  	_ =	swait.ge [sflag:s22], s20  }
0x9f: {  	s3 =	ssub.s32 $0x0, s20;
	[sflag:s22] =	ssyncset.done $0x0  }
0xa0: {  	[sflag:s22] =	ssyncadd.s32 s3;
	_ =	sdelay $0x1  }
0xa1: {  	s23 =	simm.s32 $0x1B8B  }
0xa2: {  	_ =	swait.ge [sflag:s23], $0x1  }
0xa3: {  	[sflag:s23] =	ssyncset.done $0x0  }
0xa4: {  	s25 =	simm.s32 $0x1B8E;
	s24 =	sld [smem:$0x3FFE];
	[sflag:s23] =	ssyncadd.s32 $0xFFFFFFFF  }
0xa5: {  	s26 =	simm.s32 $execute0_lowered;
	[smem:$0x3FD2] =	sst s25  }
0xa6: {  	s4 =	sshll.u32 s26, $0x1;
	_ =	strace $0x80000046;
	[dreg:$0x1] =	wrdreg $0xFFFFFFFF  }
0xa7: {  	s28 =	simm.s32 $_size_execute0_lowered;
	s2 =	sadd.s32 s2, s4;
	[dreg:$0x0] =	wrdreg $0x0  }
0xa8: {  	s4 =	sshll.u32 s28, $0x1;
	[dreg:$0x2] =	wrdreg s2  }
0xa9: {  	[dreg:$0x3] =	wrdreg s4  }
0xaa: {  	[dreg:$0x4] =	wrdreg $0xC0  }
0xab: {  	_ =	task [dreg:s6], $0x5FFFF  }
0xac: {  	[dreg:$0x1] =	wrdreg $0xFFFFFFFF  }
0xad: {  	[dreg:$0x0] =	wrdreg $0x60  }
0xae: {  	[dreg:$0x2] =	wrdreg s24  }
0xaf: {  	[dreg:$0x3] =	wrdreg $0x9  }
0xb0: {  	_ =	task.clear_ibuf [dreg:s6], $0x4FFFF;
	_ =	strace $0x90000046  }
0xb1: {  	s29 =	simm.s32 $0x9;
	_ =	strace $0x80000048  }
0xb2: {  	_ =	swait.ge [sflag:s29], $0x1  }
0xb3: {  	[sflag:s29] =	ssyncadd.s32 $0xFFFFFFFF  }
0xb4: {  	_ =	strace $0x90000048  }
0xb5: {  	_ =	sfence  }
0xb6: {  	s30 =	sld [smem:$0x0];
	_ =	sdelay $0x2  }
0xb7: {  	s31 =	sshll.u32 s1, $0xD;
	s1 =	sshrl.u32 s1, $0x2  }
0xb8: {  	s3 =	sand.u32 $0x4000, s31;
	s1 =	sadd.s32 s1, s30  }
0xb9: {  	s0 =	sor.u32 s3, s0;
	s1 =	sshll.u32 s1, $0x11  }
0xba: {  	s0 =	sor.u32 s1, s0  }
0xbb: {  	s0 =	sadd.s32 $0x8F2B, s0  }
0xbc: {  	[sflag:s0] =	ssyncadd.remote.s32 $0x1  }
0xbd: {  	_ =	sfence.sel $0xFFFF  }
0xbe: {  	[dreg:$0x0] =	wrdreg $0xFFFFFFFF;
	(pc) =	sbr.abs _section_cstart, $3  }
0xbf: {  	[dreg:$0x1] =	wrdreg $0xFFFFFFFF  }
0xc0: {  	_ =	task.clear_ibuf [dreg:s6], $0x2FFFF;
	_ =	strace $0x9FFFFFFF  }
0xc1: {  	(tm) =	ssettm $0x7FFFFFFF  }
tec
execute0_lowered:
.L_overlay_start_1:
0x0: {  	(tag) =	ssettag $0x1  }
0x1: {  	s0 =	srdreg.scid  }
0x2: {  	s3 =	stileid.u32;
	s5 =	rddreg [dreg:$0x0]  }
0x3: {  	s16 =	simm.s32 $0x2100;
	s17 =	simm.s32 $0x2500;
	s18 =	simm.s32 $0x2D00  }
0x4: {  	s19 =	simm.s32 $0x3100;
	s20 =	simm.s32 $0x3900;
	s21 =	simm.s32 $0x3D00  }
0x5: {  	s22 =	simm.s32 $0x4500;
	s0 =	sand.u32 $0x1, s0;
	s1 =	smul.u32 $0x3200, s3  }
0x6: {  	s23 =	simm.s32 $0x4900;
	s24 =	simm.s32 $0x5100;
	s2 =	smul.u32 $0x1900, s0  }
0x7: {  	s25 =	simm.s32 $0x5500;
	s7 =	simm.s32 $0x2;
	s26 =	simm.s32 $0x5D00  }
0x8: {  	s8 =	simm.s32 $0x1900;
	s1 =	sadd.s32 s2, s1;
	s2 =	simm.s32 $0x0  }
0x9: {  	s9 =	simm.s32 $0x6100;
	s10 =	simm.s32 $0x6900;
	[smem:$0x7FF] =	sst s2  }
0xa: {  	s11 =	simm.s32 $0x6D00;
	_ =	strace $0x80000047;
	[dreg:$0x3] =	wrdreg s16  }
0xb: {  	s12 =	simm.s32 $0x7500;
	s13 =	simm.s32 $0x7900;
	[dreg:$0x4] =	wrdreg s17  }
0xc: {  	s14 =	simm.s32 $0x8100;
	s15 =	simm.s32 $0x8500;
	[dreg:$0x5] =	wrdreg s18  }
0xd: {  	s28 =	simm.s32 $0xCD00;
	s3 =	sshll.u32 s3, $0x1;
	[dreg:$0x6] =	wrdreg s19  }
0xe: {  	s3 =	sor.u32 s0, s3;
	s0 =	ssub.s32 $0x2, s0;
	[dreg:$0x7] =	wrdreg s20  }
0xf: {  	s29 =	simm.s32 $0xD500;
	s6 =	sshrl.u32 s0, $0x1;
	[dreg:$0x8] =	wrdreg s21  }
0x10: {  	s30 =	simm.s32 $0x1;
	s0 =	ssub.s32 s0, s6;
	[dreg:$0x9] =	wrdreg s22  }
0x11: {  	s4 =	smul.u32 $0x1900, s3;
	s0 =	smax.u32 s0, $0x1;
	[dreg:$0xa] =	wrdreg s23  }
0x12: {  	s31 =	simm.s32 $0x0;
	s3 =	sadd.s32 $0x13CA00, s5;
	[dreg:$0xf] =	wrdreg s0  }
0x13: {  	s1 =	sshrl.u32 s1, $0x3;
	s4 =	sshrl.u32 s4, $0x3;
	[dreg:$0xb] =	wrdreg s24  }
0x14: {  	s1 =	smul.u32 $0x180, s1;
	s4 =	sadd.s32 s4, s5;
	[dreg:$0xc] =	wrdreg s25  }
0x15: {  	[dreg:$0xd] =	wrdreg s26;
	s16 =	simm.s32 $0x8D00;
	s17 =	simm.s32 $0x9100  }
0x16: {  	s18 =	simm.s32 $0x9900;
	s19 =	simm.s32 $0x9D00;
	s20 =	simm.s32 $0xA500  }
0x17: {  	s21 =	simm.s32 $0xA900;
	s22 =	simm.s32 $0xB100;
	s23 =	simm.s32 $0xB500  }
0x18: {  	v2 =	vlaneseq.u32;
	s24 =	simm.s32 $0xBD00;
	s4 =	sadd.s32 $0x52400, s4;
	s1 =	sadd.s32 s1, s5  }
0x19: {  	vm0 =	vmmov $0xffff;
	vm1 =	vmmov $0xff;
	v1 =	vshrl.u32 v2, $0x3;
	s25 =	simm.s32 $0xC100;
	[dreg:$0xe] =	wrdreg s4;
	s1 =	sadd.s32 $0x1B4A00, s1  }
0x1a: {  	v0 =	vand.u32 $0x7, v2;
	v2 =	vor.u32 $0x8, v2;
	v1 =	vmul.u32 $0x8, v1;
	s26 =	simm.s32 $0xC900;
	s5 =	sadd.s32 $0x13CB00, s5;
	[dreg:$0x2] =	wrdreg s1  }
.LBB2_1:
0x1b: {  	s0 =	rddreg [dreg:$0xe]  }
0x1c: {  	[tilespmem:s2], [sflag:$0x2] =	stream.linear.gather [hbm4b:s0+s2], $0x1900, $0x38;
	[tilespmem:$0xD900] =	vst v63  }
0x1d: {  	_ =	swait.ge [sflag:s7], $0x1900  }
0x1e: {  	[sflag:s7] =	ssyncset.done $0x0  }
0x1f: {  	s1 =	simm.s32 $0x40;
	s0 =	simm.s32 $0x0;
	[sflag:s7] =	ssyncadd.s32 $0xFFFFE700  }
.LBB2_2:
0x20: {  	v3 =	vld [tilespmem:s1+$0xFFFFFFC0];
	_ =	sdelay $0x4  }
0x21: {  	v4 =	vshrl.u32 v3, $0x3  }
0x22: {  	v4 =	vmul.u32 $0x18, v4  }
0x23: {  	v3 =	vand.u32 $0x7, v3  }
0x24: {  	v3 =	vor.u32 v3, v4  }
0x25: {  	v4 =	vperm.xlane v3, v0;
	_ =	sdelay $0x1  }
0x26: {  	v4 =	vadd.s32 v1, v4;
	_ =	sdelay $0x1  }
0x27: {  	v3 =	vperm.xlane v3, v2;
	_ =	sdelay $0x1  }
0x28: {  	v3 =	vadd.s32 v1, v3  }
0x29: {  	[tilespmem:s8], [sflag:$0x1] =	stream.indirect_vreg.gather [hbm4b:s3+s2], $0x80, v4, vm0, $0xb8;
	[tilespmem:$0xD900] =	vst v63  }
0x2a: {  	s4 =	rddreg [dreg:$0x3]  }
0x2b: {  	[tilespmem:s4], [sflag:$0x1] =	stream.indirect_vreg.gather [hbm4b:s5+s2], $0x80, v4, vm1, $0xb8;
	[tilespmem:$0xD900] =	vst v63  }
0x2c: {  	s6 =	rddreg [dreg:$0x4]  }
0x2d: {  	[tilespmem:s6], [sflag:$0x1] =	stream.indirect_vreg.gather [hbm4b:s3+s2], $0x80, v3, vm0, $0xb8;
	[tilespmem:$0xD900] =	vst v63  }
0x2e: {  	s4 =	rddreg [dreg:$0x5]  }
0x2f: {  	[tilespmem:s4], [sflag:$0x1] =	stream.indirect_vreg.gather [hbm4b:s5+s2], $0x80, v3, vm1, $0xb8;
	[tilespmem:$0xD900] =	vst v63  }
0x30: {  	v3 =	vld [tilespmem:s1+$0xFFFFFFD0];
	_ =	sdelay $0x4  }
0x31: {  	v57 =	vshrl.u32 v3, $0x3  }
0x32: {  	v4 =	vmul.u32 $0x18, v57  }
0x33: {  	v3 =	vand.u32 $0x7, v3  }
0x34: {  	v3 =	vor.u32 v3, v4  }
0x35: {  	v4 =	vperm.xlane v3, v0;
	_ =	sdelay $0x1  }
0x36: {  	v4 =	vadd.s32 v1, v4;
	_ =	sdelay $0x1  }
0x37: {  	v3 =	vperm.xlane v3, v2;
	_ =	sdelay $0x1  }
0x38: {  	s4 =	rddreg [dreg:$0x6];
	v3 =	vadd.s32 v1, v3  }
0x39: {  	[tilespmem:s4], [sflag:$0x1] =	stream.indirect_vreg.gather [hbm4b:s3+s2], $0x80, v4, vm0, $0xb8;
	[tilespmem:$0xD900] =	vst v63  }
0x3a: {  	s6 =	rddreg [dreg:$0x7]  }
0x3b: {  	[tilespmem:s6], [sflag:$0x1] =	stream.indirect_vreg.gather [hbm4b:s5+s2], $0x80, v4, vm1, $0xb8;
	[tilespmem:$0xD900] =	vst v63  }
0x3c: {  	s4 =	rddreg [dreg:$0x8]  }
0x3d: {  	[tilespmem:s4], [sflag:$0x1] =	stream.indirect_vreg.gather [hbm4b:s3+s2], $0x80, v3, vm0, $0xb8;
	[tilespmem:$0xD900] =	vst v63  }
0x3e: {  	s6 =	rddreg [dreg:$0x9]  }
0x3f: {  	[tilespmem:s6], [sflag:$0x1] =	stream.indirect_vreg.gather [hbm4b:s5+s2], $0x80, v3, vm1, $0xb8;
	[tilespmem:$0xD900] =	vst v63  }
0x40: {  	v3 =	vld [tilespmem:s1+$0xFFFFFFE0];
	_ =	sdelay $0x4  }
0x41: {  	v58 =	vshrl.u32 v3, $0x3  }
0x42: {  	v4 =	vmul.u32 $0x18, v58  }
0x43: {  	v3 =	vand.u32 $0x7, v3  }
0x44: {  	v3 =	vor.u32 v3, v4  }
0x45: {  	v4 =	vperm.xlane v3, v0;
	_ =	sdelay $0x1  }
0x46: {  	v4 =	vadd.s32 v1, v4;
	_ =	sdelay $0x1  }
0x47: {  	v3 =	vperm.xlane v3, v2;
	_ =	sdelay $0x1  }
0x48: {  	s4 =	rddreg [dreg:$0xa];
	v3 =	vadd.s32 v1, v3  }
0x49: {  	[tilespmem:s4], [sflag:$0x1] =	stream.indirect_vreg.gather [hbm4b:s3+s2], $0x80, v4, vm0, $0xb8;
	[tilespmem:$0xD900] =	vst v63  }
0x4a: {  	s6 =	rddreg [dreg:$0xb]  }
0x4b: {  	[tilespmem:s6], [sflag:$0x1] =	stream.indirect_vreg.gather [hbm4b:s5+s2], $0x80, v4, vm1, $0xb8;
	[tilespmem:$0xD900] =	vst v63  }
0x4c: {  	s4 =	rddreg [dreg:$0xc]  }
0x4d: {  	[tilespmem:s4], [sflag:$0x1] =	stream.indirect_vreg.gather [hbm4b:s3+s2], $0x80, v3, vm0, $0xb8;
	[tilespmem:$0xD900] =	vst v63  }
0x4e: {  	s6 =	rddreg [dreg:$0xd]  }
0x4f: {  	[tilespmem:s6], [sflag:$0x1] =	stream.indirect_vreg.gather [hbm4b:s5+s2], $0x80, v3, vm1, $0xb8;
	[tilespmem:$0xD900] =	vst v63  }
0x50: {  	v3 =	vld [tilespmem:s1+$0xFFFFFFF0];
	_ =	sdelay $0x4  }
0x51: {  	v59 =	vshrl.u32 v3, $0x3  }
0x52: {  	v4 =	vmul.u32 $0x18, v59  }
0x53: {  	v3 =	vand.u32 $0x7, v3  }
0x54: {  	v3 =	vor.u32 v3, v4  }
0x55: {  	v4 =	vperm.xlane v3, v0;
	_ =	sdelay $0x1  }
0x56: {  	v4 =	vadd.s32 v1, v4;
	_ =	sdelay $0x1  }
0x57: {  	v3 =	vperm.xlane v3, v2;
	_ =	sdelay $0x1  }
0x58: {  	v3 =	vadd.s32 v1, v3  }
0x59: {  	[tilespmem:s9], [sflag:$0x1] =	stream.indirect_vreg.gather [hbm4b:s3+s2], $0x80, v4, vm0, $0xb8;
	[tilespmem:$0xD900] =	vst v63  }
0x5a: {  	_ = 	snop  }
0x5b: {  	[tilespmem:s10], [sflag:$0x1] =	stream.indirect_vreg.gather [hbm4b:s5+s2], $0x80, v4, vm1, $0xb8;
	[tilespmem:$0xD900] =	vst v63  }
0x5c: {  	_ = 	snop  }
0x5d: {  	[tilespmem:s11], [sflag:$0x1] =	stream.indirect_vreg.gather [hbm4b:s3+s2], $0x80, v3, vm0, $0xb8;
	[tilespmem:$0xD900] =	vst v63  }
0x5e: {  	_ = 	snop  }
0x5f: {  	[tilespmem:s12], [sflag:$0x1] =	stream.indirect_vreg.gather [hbm4b:s5+s2], $0x80, v3, vm1, $0xb8;
	[tilespmem:$0xD900] =	vst v63  }
0x60: {  	v3 =	vld [tilespmem:s1+$0x0];
	_ =	sdelay $0x4  }
0x61: {  	v60 =	vshrl.u32 v3, $0x3  }
0x62: {  	v4 =	vmul.u32 $0x18, v60  }
0x63: {  	v3 =	vand.u32 $0x7, v3  }
0x64: {  	v3 =	vor.u32 v3, v4  }
0x65: {  	v4 =	vperm.xlane v3, v0;
	_ =	sdelay $0x1  }
0x66: {  	v4 =	vadd.s32 v1, v4;
	_ =	sdelay $0x1  }
0x67: {  	v3 =	vperm.xlane v3, v2;
	_ =	sdelay $0x1  }
0x68: {  	v3 =	vadd.s32 v1, v3  }
0x69: {  	[tilespmem:s13], [sflag:$0x1] =	stream.indirect_vreg.gather [hbm4b:s3+s2], $0x80, v4, vm0, $0xb8;
	[tilespmem:$0xD900] =	vst v63  }
0x6a: {  	_ = 	snop  }
0x6b: {  	[tilespmem:s14], [sflag:$0x1] =	stream.indirect_vreg.gather [hbm4b:s5+s2], $0x80, v4, vm1, $0xb8;
	[tilespmem:$0xD900] =	vst v63  }
0x6c: {  	_ = 	snop  }
0x6d: {  	[tilespmem:s15], [sflag:$0x1] =	stream.indirect_vreg.gather [hbm4b:s3+s2], $0x80, v3, vm0, $0xb8;
	[tilespmem:$0xD900] =	vst v63  }
0x6e: {  	_ = 	snop  }
0x6f: {  	[tilespmem:s16], [sflag:$0x1] =	stream.indirect_vreg.gather [hbm4b:s5+s2], $0x80, v3, vm1, $0xb8;
	[tilespmem:$0xD900] =	vst v63  }
0x70: {  	v3 =	vld [tilespmem:s1+$0x10];
	_ =	sdelay $0x4  }
0x71: {  	v61 =	vshrl.u32 v3, $0x3  }
0x72: {  	v4 =	vmul.u32 $0x18, v61  }
0x73: {  	v3 =	vand.u32 $0x7, v3  }
0x74: {  	v3 =	vor.u32 v3, v4  }
0x75: {  	v4 =	vperm.xlane v3, v0;
	_ =	sdelay $0x1  }
0x76: {  	v4 =	vadd.s32 v1, v4;
	_ =	sdelay $0x1  }
0x77: {  	v3 =	vperm.xlane v3, v2;
	_ =	sdelay $0x1  }
0x78: {  	v3 =	vadd.s32 v1, v3  }
0x79: {  	[tilespmem:s17], [sflag:$0x1] =	stream.indirect_vreg.gather [hbm4b:s3+s2], $0x80, v4, vm0, $0xb8;
	[tilespmem:$0xD900] =	vst v63  }
0x7a: {  	_ = 	snop  }
0x7b: {  	[tilespmem:s18], [sflag:$0x1] =	stream.indirect_vreg.gather [hbm4b:s5+s2], $0x80, v4, vm1, $0xb8;
	[tilespmem:$0xD900] =	vst v63  }
0x7c: {  	_ = 	snop  }
0x7d: {  	[tilespmem:s19], [sflag:$0x1] =	stream.indirect_vreg.gather [hbm4b:s3+s2], $0x80, v3, vm0, $0xb8;
	[tilespmem:$0xD900] =	vst v63  }
0x7e: {  	_ = 	snop  }
0x7f: {  	[tilespmem:s20], [sflag:$0x1] =	stream.indirect_vreg.gather [hbm4b:s5+s2], $0x80, v3, vm1, $0xb8;
	[tilespmem:$0xD900] =	vst v63  }
0x80: {  	v3 =	vld [tilespmem:s1+$0x20];
	_ =	sdelay $0x4  }
0x81: {  	v62 =	vshrl.u32 v3, $0x3  }
0x82: {  	v4 =	vmul.u32 $0x18, v62  }
0x83: {  	v3 =	vand.u32 $0x7, v3  }
0x84: {  	v3 =	vor.u32 v3, v4  }
0x85: {  	v4 =	vperm.xlane v3, v0;
	_ =	sdelay $0x1  }
0x86: {  	v4 =	vadd.s32 v1, v4;
	_ =	sdelay $0x1  }
0x87: {  	v3 =	vperm.xlane v3, v2;
	_ =	sdelay $0x1  }
0x88: {  	v3 =	vadd.s32 v1, v3  }
0x89: {  	[tilespmem:s21], [sflag:$0x1] =	stream.indirect_vreg.gather [hbm4b:s3+s2], $0x80, v4, vm0, $0xb8;
	[tilespmem:$0xD900] =	vst v63  }
0x8a: {  	_ = 	snop  }
0x8b: {  	[tilespmem:s22], [sflag:$0x1] =	stream.indirect_vreg.gather [hbm4b:s5+s2], $0x80, v4, vm1, $0xb8;
	[tilespmem:$0xD900] =	vst v63  }
0x8c: {  	_ = 	snop  }
0x8d: {  	[tilespmem:s23], [sflag:$0x1] =	stream.indirect_vreg.gather [hbm4b:s3+s2], $0x80, v3, vm0, $0xb8;
	[tilespmem:$0xD900] =	vst v63  }
0x8e: {  	_ = 	snop  }
0x8f: {  	[tilespmem:s24], [sflag:$0x1] =	stream.indirect_vreg.gather [hbm4b:s5+s2], $0x80, v3, vm1, $0xb8;
	[tilespmem:$0xD900] =	vst v63  }
0x90: {  	v3 =	vld [tilespmem:s1+$0x30];
	_ =	sdelay $0x4  }
0x91: {  	v63 =	vshrl.u32 v3, $0x3  }
0x92: {  	v4 =	vmul.u32 $0x18, v63  }
0x93: {  	v3 =	vand.u32 $0x7, v3  }
0x94: {  	v3 =	vor.u32 v3, v4  }
0x95: {  	v4 =	vperm.xlane v3, v0;
	_ =	sdelay $0x1  }
0x96: {  	v4 =	vadd.s32 v1, v4;
	_ =	sdelay $0x1  }
0x97: {  	v3 =	vperm.xlane v3, v2;
	_ =	sdelay $0x1  }
0x98: {  	v3 =	vadd.s32 v1, v3  }
0x99: {  	[tilespmem:s25], [sflag:$0x1] =	stream.indirect_vreg.gather [hbm4b:s3+s2], $0x80, v4, vm0, $0xb8;
	[tilespmem:$0xD900] =	vst v63  }
0x9a: {  	_ = 	snop  }
0x9b: {  	[tilespmem:s26], [sflag:$0x1] =	stream.indirect_vreg.gather [hbm4b:s5+s2], $0x80, v4, vm1, $0xb8;
	[tilespmem:$0xD900] =	vst v63  }
0x9c: {  	_ = 	snop  }
0x9d: {  	[tilespmem:s28], [sflag:$0x1] =	stream.indirect_vreg.gather [hbm4b:s3+s2], $0x80, v3, vm0, $0xb8;
	[tilespmem:$0xD900] =	vst v63  }
0x9e: {  	_ = 	snop  }
0x9f: {  	[tilespmem:s29], [sflag:$0x1] =	stream.indirect_vreg.gather [hbm4b:s5+s2], $0x80, v3, vm1, $0xb8;
	[tilespmem:$0xD900] =	vst v63  }
0xa0: {  	_ =	swait.ge [sflag:s30], $0xC000  }
0xa1: {  	p0 =	sne.s32 s0, $0x49800;
	s6 =	rddreg [dreg:$0x2];
	[sflag:s30] =	ssyncset.done $0x0  }
.Ltmp0:
0xa2: {  	[sflag:s30] =	ssyncadd.s32 $0xFFFF4000;
	s4 =	sadd.s32 s0, s6;
	(pc) =	sbr.rel @p0 .LBB2_2-.Ltmp0, $4  }
0xa3: {  	[hbm4b:s4+s2] =	stream.linear.scatter [tilespmem:s8], [sflag:$0x2], $0xC000, $0x38;
	[tilespmem:$0xD900] =	vst v63  }
0xa4: {  	_ =	swait.ge [sflag:s7], $0xC000  }
0xa5: {  	[sflag:s7] =	ssyncset.done $0x0  }
0xa6: {  	s1 =	sadd.s32 $0x80, s1;
	s0 =	sadd.s32 $0x1800, s0;
	[sflag:s7] =	ssyncadd.s32 $0xFFFF4000  }
0xa7: {  	s31 =	sadd.s32 $0x1, s31;
	s0 =	rddreg [dreg:$0xf]  }
0xa8: {  	p0 =	sne.s32 s31, s0  }
.Ltmp1:
0xa9: {  	_ = 	snop;
	(pc) =	sbr.rel @p0 .LBB2_1-.Ltmp1, $1  }
0xaa: {  	_ =	sdelay $0x3  }
0xab: {  	_ =	sfence.sel $0x180000  }
0xac: {  	[bflag:$0x0] =	sbarrier.arrive $0xFFFF  }
0xad: {  	_ =	strace $0x90000047  }
0xae: {  	s0 =	stileid.u32;
	[bflag:$0x2] =	sbarrier.arrive $0xFFFF  }
0xaf: {  	p0 =	sne.s32 s0, $0x0;
	s0 =	rddreg [dreg:$0x1]  }
0xb0: {  	s0 =	sadd.s32 @!p0 $0x100000, s0  }
0xb1: {  	[sflag:s0] =	ssyncadd.tile.s32 @!p0 $0x1;
	_ =	shalt  }
.Lfunc_end2:
_tile_overlayer_lowered:
.L_overlay_start_2:
0xb2: {  	(tag) =	ssettag $0x2  }
0xb3: {  	s0 =	rddreg [dreg:$0x0];
	s2 =	stileid.u32  }
0xb4: {  	s1 =	rddreg [dreg:$0x1];
	p0 =	sne.s32 s2, $0x0  }
0xb5: {  	s3 =	rddreg [dreg:$0x2];
	[bflag:$0x3] =	sbarrier.arrive $0xFFFF;
	s2 =	simm.s32 @!p0 $0x1C02  }
0xb6: {  	[timem:s3], [sflag:s2] =	dma.local @!p0 [hbm:s0], s1  }
0xb7: {  	s0 =	simm.s32 @!p0 $0x2  }
0xb8: {  	_ =	swait.ge @!p0 [sflag:s0], s1  }
0xb9: {  	s1 =	ssub.s32 @!p0 $0x0, s1;
	[sflag:s0] =	ssyncset.done @!p0 $0x0  }
0xba: {  	[sflag:s0] =	ssyncadd.s32 @!p0 s1  }
0xbb: {  	[bflag:$0x3] =	sbarrier.arrive $0xFFFF  }
0xbc: {  	_ =	shalt  }

</sc_bundles>
